<compile_context>
chip_gen: v7x
topology: tpu7x:2x2x1
jax: 0.10.2.dev20260603
libtpu: 0.0.44.dev20260713+nightly
codegen_flags: <defaults>
</compile_context>

<pallas_src>
import functools

import jax
import jax.numpy as jnp
from jax import lax
from jax.experimental import pallas as pl
from jax.experimental.pallas import tpu as pltpu
from jax.experimental.pallas import tpu_sc as plsc

N_NODES = 10000
D_FEAT = 128
N_EDGES = 320000

NC = 2
NS = 16
NW = NC * NS
E_PER_TILE = N_EDGES // NW
K = 128
H = 39
E_HALF = H * K
REM = E_PER_TILE - 2 * E_HALF
IDX_BUF = 5120

ROWS_MAIN = 624
ROWS_TAIL_EXTRA = 16

NBLK = 5
RBLK = N_NODES // NBLK

def _scale_body(x_ref, n_ref, o_ref):
    o_ref[...] = x_ref[...] * n_ref[...].reshape(N_NODES, 1)


def _combine_body(p0_ref, p1_ref, n_ref, o_ref):
    o_ref[...] = n_ref[...].reshape(N_NODES, 1) * (p0_ref[...] + p1_ref[...])


_mesh = plsc.VectorSubcoreMesh(core_axis_name="c", subcore_axis_name="s")


@functools.partial(
    pl.kernel,
    out_type=(
        jax.ShapeDtypeStruct((N_NODES, D_FEAT), jnp.float32),
        jax.ShapeDtypeStruct((N_NODES, D_FEAT), jnp.float32),
    ),
    mesh=_mesh,
    scratch_types=[
        pltpu.VMEM((IDX_BUF,), jnp.int32),
        pltpu.VMEM((IDX_BUF,), jnp.int32),
        pltpu.VMEM((2, K, D_FEAT), jnp.float32),
        pltpu.VMEM((REM, D_FEAT), jnp.float32),
        pltpu.VMEM_SHARED((N_NODES, D_FEAT), jnp.float32),
        pltpu.SemaphoreType.DMA,
        pltpu.SemaphoreType.DMA,
        pltpu.SemaphoreType.DMA,
        pltpu.SemaphoreType.DMA,
        pltpu.SemaphoreType.DMA,
    ],
)
def _scatter_kernel(xn_hbm, ei_hbm, p0_hbm, p1_hbm,
                    src_v, dst_v, rows_v, rbuf, acc, g0, g1, g2, s0, s1):
    cid = lax.axis_index("c")
    sid = lax.axis_index("s")
    wid = cid * NS + sid

    base = wid * E_PER_TILE

    def _stage(half, sem_s, sem_d):
        bh = base + half * E_HALF
        head = lax.rem(bh, 128)
        astart = pl.multiple_of(bh - head, 128)
        ds = pltpu.async_copy(ei_hbm.at[0, pl.ds(astart, IDX_BUF)],
                              src_v, sem_s)
        dd = pltpu.async_copy(ei_hbm.at[1, pl.ds(astart, IDX_BUF)],
                              dst_v, sem_d)
        return head, ds, dd

    head0, i0s, i0d = _stage(0, g0, g1)

    zeros = jnp.zeros((16,), jnp.float32)

    def _zrow(i, carry):
        for c8 in range(D_FEAT // 16):
            rows_v[0, i, pl.ds(c8 * 16, 16)] = zeros
        return carry

    lax.fori_loop(0, K, _zrow, 0)

    zrow0 = sid * ROWS_MAIN
    zds = [pltpu.async_copy(rows_v.at[0],
                            acc.at[pl.ds(zrow0 + b * K, K)], s0)
           for b in range(ROWS_MAIN // K)]
    zds.append(pltpu.async_copy(
        rows_v.at[0, pl.ds(0, ROWS_MAIN % K)],
        acc.at[pl.ds(zrow0 + (ROWS_MAIN // K) * K, ROWS_MAIN % K)], s0))

    i0s.wait()
    i0d.wait()

    buf0 = rows_v.at[0]
    buf1 = rows_v.at[1]

    for half in range(2):
        if half == 0:
            head = head0
        else:
            head, ihs, ihd = _stage(half, g0, g1)
            ihs.wait()
            ihd.wait()

        def _idx(ref, j):
            return ref.at[pl.ds(head + j * K, K)]

        def _gather(j, buf, sem):
            return pltpu.async_copy(xn_hbm.at[_idx(src_v, j)], buf, sem)

        def _gwait(j, buf, sem):
            pltpu.make_async_copy(xn_hbm.at[_idx(src_v, j)], buf,
                                  sem).wait()

        def _scatter(j, buf, sem):
            return pltpu.async_copy(buf, acc.at[_idx(dst_v, j)], sem,
                                    add=True)

        if half == 1:
            pltpu.async_copy(
                xn_hbm.at[src_v.at[pl.ds(head + H * K, REM)]], rbuf, g2)

        _gather(0, buf1, g1)

        if half == 0:
            for d in zds:
                d.wait()

            @pl.when(sid == NS - 1)
            def _ztail():
                pltpu.sync_copy(
                    rows_v.at[0, pl.ds(0, ROWS_TAIL_EXTRA)],
                    acc.at[pl.ds(NS * ROWS_MAIN, ROWS_TAIL_EXTRA)])

            plsc.subcore_barrier()

        def _pair(i, carry):
            j0 = 2 * i
            j1 = j0 + 1
            _gather(j1, buf0, g0)
            _gwait(j0, buf1, g1)
            _scatter(j0, buf1, s1).wait()
            _gather(j0 + 2, buf1, g1)
            _gwait(j1, buf0, g0)
            _scatter(j1, buf0, s0).wait()
            return carry

        lax.fori_loop(0, H // 2, _pair, 0)

        _gwait(H - 1, buf1, g1)
        _scatter(H - 1, buf1, s1).wait()

        if half == 1:
            ridx_d = dst_v.at[pl.ds(head + H * K, REM)]
            pltpu.make_async_copy(
                xn_hbm.at[src_v.at[pl.ds(head + H * K, REM)]],
                rbuf, g2).wait()
            pltpu.async_copy(rbuf, acc.at[ridx_d], s1, add=True).wait()

    plsc.subcore_barrier()

    row0 = sid * ROWS_MAIN
    tail0 = NS * ROWS_MAIN

    @pl.when(cid == 0)
    def _write0():
        pltpu.sync_copy(acc.at[pl.ds(row0, ROWS_MAIN)],
                        p0_hbm.at[pl.ds(row0, ROWS_MAIN)])

        @pl.when(sid == NS - 1)
        def _tail0():
            pltpu.sync_copy(acc.at[pl.ds(tail0, ROWS_TAIL_EXTRA)],
                            p0_hbm.at[pl.ds(tail0, ROWS_TAIL_EXTRA)])

    @pl.when(cid == 1)
    def _write1():
        pltpu.sync_copy(acc.at[pl.ds(row0, ROWS_MAIN)],
                        p1_hbm.at[pl.ds(row0, ROWS_MAIN)])

        @pl.when(sid == NS - 1)
        def _tail1():
            pltpu.sync_copy(acc.at[pl.ds(tail0, ROWS_TAIL_EXTRA)],
                            p1_hbm.at[pl.ds(tail0, ROWS_TAIL_EXTRA)])


def kernel(x, norm, edge_index):
    if edge_index.dtype == jnp.int32:
        ei = edge_index
    else:
        ei = edge_index.astype(jnp.int32)

    xn = pl.pallas_call(
        _scale_body,
        out_shape=jax.ShapeDtypeStruct((N_NODES, D_FEAT), jnp.float32),
    )(x, norm.reshape(N_NODES))

    p0, p1 = _scatter_kernel(xn, ei)

    y = pl.pallas_call(
        _combine_body,
        out_shape=jax.ShapeDtypeStruct((N_NODES, D_FEAT), jnp.float32),
    )(p0, p1, norm.reshape(N_NODES))
    return y

# --- scband reference (transcript-rebuilt; emitter-appended) ---
"""Pipeline reference for scband-lgcnlayer-19928648253533 (READ-ONLY COPY).

The authoritative reference and input builder live on the scoring server;
editing this copy changes nothing except your own understanding.
"""

import jax, jax.numpy as jnp
import numpy as np

N_NODES = 10000
N_EDGES = 320000
D_FEAT = 128


def setup_inputs(seed: int = 0) -> dict:
    key = jax.random.key(seed)
    k1, k2, k3 = jax.random.split(key, 3)
    x = jax.random.normal(k1, (N_NODES, D_FEAT), dtype=jnp.float32)
    norm = jax.random.uniform(k2, (N_NODES, 1), dtype=jnp.float32)
    edge_index = jax.random.randint(k3, (2, N_EDGES), 0, N_NODES, dtype=jnp.int64)
    return {"x": x, "norm": norm, "edge_index": edge_index}


def reference(x, norm, edge_index):
    # LGCNLayer (LightGCN-style propagation):
    # message m = norm[src] * x[src] * norm[dst]; aggregated by sum at dst.
    src = edge_index[0]
    dst = edge_index[1]
    m = norm[src] * x[src] * norm[dst]  # [E, d]
    y = jax.ops.segment_sum(m, dst, num_segments=x.shape[0])  # [N, d]
    return y

if __name__ == "__main__":
    import jax
    _d = setup_inputs()
    print(jax.jit(kernel)(*tuple(_d.values())))

</pallas_src>

<mosaic_0001>
#map = affine_map<(d0, d1) -> (0, 0)>
module attributes {stable_mosaic.version = 14 : i64} {
  func.func @_scatter_kernel(%arg0: i32, %arg1: i32, %arg2: memref<10000x128xf32, #tpu.memory_space<hbm>>, %arg3: memref<2x320000xi32, #tpu.memory_space<hbm>>, %arg4: memref<10000x128xf32, #tpu.memory_space<hbm>>, %arg5: memref<10000x128xf32, #tpu.memory_space<hbm>>, %arg6: memref<5120xi32, #tpu.memory_space<vmem>>, %arg7: memref<5120xi32, #tpu.memory_space<vmem>>, %arg8: memref<2x128x128xf32, #tpu.memory_space<vmem>>, %arg9: memref<16x128xf32, #tpu.memory_space<vmem>>, %arg10: memref<10000x128xf32, #tpu.memory_space<vmem_shared>>, %arg11: memref<!tpu.dma_semaphore, #tpu.memory_space<semaphore_mem>>, %arg12: memref<!tpu.dma_semaphore, #tpu.memory_space<semaphore_mem>>, %arg13: memref<!tpu.dma_semaphore, #tpu.memory_space<semaphore_mem>>, %arg14: memref<!tpu.dma_semaphore, #tpu.memory_space<semaphore_mem>>, %arg15: memref<!tpu.dma_semaphore, #tpu.memory_space<semaphore_mem>>) attributes {dimension_semantics = [#tpu.dimension_semantics<core_parallel>, #tpu.dimension_semantics<subcore_parallel>], iteration_bounds = array<i64: 2, 16>, scalar_prefetch = 0 : i64, scratch_operands = 10 : i64, tpu.core_type = #tpu.core_type<sc_vector_subcore>, window_params = [{transform_indices = #map}, {transform_indices = #map}, {transform_indices = #map}, {transform_indices = #map}]} {
    %mul3A = arith.constant 16 : i32
    %mul3A_0 = arith.muli %arg0, %mul3A : i32
    %add3A = arith.addi %mul3A_0, %arg1 : i32
    %mul3A_1 = arith.constant 10000 : i32
    %mul3A_2 = arith.muli %add3A, %mul3A_1 : i32
    %add3A_3 = arith.constant 0 : i32
    %add3A_4 = arith.addi %mul3A_2, %add3A_3 : i32
    %rem3A = arith.constant 128 : i32
    %rem3A_5 = arith.remsi %add3A_4, %rem3A : i32
    %sub3A = arith.subi %add3A_4, %rem3A_5 : i32
    %multiple_of3A = tpu.assume_multiple %sub3A, 128 : i32
    %dma_start3A = arith.constant 0 : i32
    %dma_start3A_6 = tpu.memref_slice %arg3[%dma_start3A, %multiple_of3A] : memref<2x320000xi32, #tpu.memory_space<hbm>> -> memref<1x5120xi32, #tpu.memory_space<hbm>>
    %dma_start3A_7 = tpu.memref_squeeze %dma_start3A_6 : memref<1x5120xi32, #tpu.memory_space<hbm>> -> memref<5120xi32, #tpu.memory_space<hbm>>
    %dma_start3A_8 = tpu.memref_slice %arg3[%dma_start3A, %multiple_of3A] : memref<2x320000xi32, #tpu.memory_space<hbm>> -> memref<1x5120xi32, #tpu.memory_space<hbm>>
    %dma_start3A_9 = tpu.memref_squeeze %dma_start3A_8 : memref<1x5120xi32, #tpu.memory_space<hbm>> -> memref<5120xi32, #tpu.memory_space<hbm>>
    tpu.enqueue_dma source(%dma_start3A_9 : memref<5120xi32, #tpu.memory_space<hbm>>) target(%arg6 : memref<5120xi32, #tpu.memory_space<vmem>>) target_semaphore(%arg11 : memref<!tpu.dma_semaphore, #tpu.memory_space<semaphore_mem>>)
    %dma_start3A_10 = arith.constant 1 : i32
    %dma_start3A_11 = tpu.memref_slice %arg3[%dma_start3A_10, %multiple_of3A] : memref<2x320000xi32, #tpu.memory_space<hbm>> -> memref<1x5120xi32, #tpu.memory_space<hbm>>
    %dma_start3A_12 = tpu.memref_squeeze %dma_start3A_11 : memref<1x5120xi32, #tpu.memory_space<hbm>> -> memref<5120xi32, #tpu.memory_space<hbm>>
    %dma_start3A_13 = tpu.memref_slice %arg3[%dma_start3A_10, %multiple_of3A] : memref<2x320000xi32, #tpu.memory_space<hbm>> -> memref<1x5120xi32, #tpu.memory_space<hbm>>
    %dma_start3A_14 = tpu.memref_squeeze %dma_start3A_13 : memref<1x5120xi32, #tpu.memory_space<hbm>> -> memref<5120xi32, #tpu.memory_space<hbm>>
    tpu.enqueue_dma source(%dma_start3A_14 : memref<5120xi32, #tpu.memory_space<hbm>>) target(%arg7 : memref<5120xi32, #tpu.memory_space<vmem>>) target_semaphore(%arg12 : memref<!tpu.dma_semaphore, #tpu.memory_space<semaphore_mem>>)
    %broadcast_in_dim3A = arith.constant 0.000000e+00 : f32
    %broadcast_in_dim3A_15 = vector.broadcast %broadcast_in_dim3A : f32 to vector<16xf32>
    %scan3A = arith.constant 0 : i32
    %scan3A_16 = arith.constant 0 : i32
    %scan3A_17 = arith.constant 128 : i32
    %scan3A_18 = arith.addi %scan3A_16, %scan3A_17 : i32
    %scan3A_19 = arith.constant 1 : i32
    scf.for %scan3A_335 = %scan3A_16 to %scan3A_18 step %scan3A_19  : i32 {
      %swap3A = arith.constant 0 : i32
      %swap3A_336 = arith.index_cast %swap3A : i32 to index
      %swap3A_337 = arith.index_cast %scan3A_335 : i32 to index
      %swap3A_338 = arith.constant 0 : index
      %swap3A_339 = tpu.vector_load %arg8[%swap3A_336, %swap3A_337, %swap3A_338] {strides = array<i32>} : memref<2x128x128xf32, #tpu.memory_space<vmem>>, vector<1x1x16xf32>,
      %swap3A_340 = vector.shape_cast %swap3A_339 : vector<1x1x16xf32> to vector<16xf32>
      %swap3A_341 = vector.shape_cast %broadcast_in_dim3A_15 : vector<16xf32> to vector<1x1x16xf32>
      tpu.vector_store %arg8[%swap3A_336, %swap3A_337, %swap3A_338], %swap3A_341 {strides = array<i32>} : memref<2x128x128xf32, #tpu.memory_space<vmem>>, vector<1x1x16xf32>,
      %swap3A_342 = arith.constant 0 : i32
      %swap3A_343 = arith.index_cast %swap3A_342 : i32 to index
      %swap3A_344 = arith.index_cast %scan3A_335 : i32 to index
      %swap3A_345 = arith.constant 16 : index
      %swap3A_346 = tpu.vector_load %arg8[%swap3A_343, %swap3A_344, %swap3A_345] {strides = array<i32>} : memref<2x128x128xf32, #tpu.memory_space<vmem>>, vector<1x1x16xf32>,
      %swap3A_347 = vector.shape_cast %swap3A_346 : vector<1x1x16xf32> to vector<16xf32>
      %swap3A_348 = vector.shape_cast %broadcast_in_dim3A_15 : vector<16xf32> to vector<1x1x16xf32>
      tpu.vector_store %arg8[%swap3A_343, %swap3A_344, %swap3A_345], %swap3A_348 {strides = array<i32>} : memref<2x128x128xf32, #tpu.memory_space<vmem>>, vector<1x1x16xf32>,
      %swap3A_349 = arith.constant 0 : i32
      %swap3A_350 = arith.index_cast %swap3A_349 : i32 to index
      %swap3A_351 = arith.index_cast %scan3A_335 : i32 to index
      %swap3A_352 = arith.constant 32 : index
      %swap3A_353 = tpu.vector_load %arg8[%swap3A_350, %swap3A_351, %swap3A_352] {strides = array<i32>} : memref<2x128x128xf32, #tpu.memory_space<vmem>>, vector<1x1x16xf32>,
      %swap3A_354 = vector.shape_cast %swap3A_353 : vector<1x1x16xf32> to vector<16xf32>
      %swap3A_355 = vector.shape_cast %broadcast_in_dim3A_15 : vector<16xf32> to vector<1x1x16xf32>
      tpu.vector_store %arg8[%swap3A_350, %swap3A_351, %swap3A_352], %swap3A_355 {strides = array<i32>} : memref<2x128x128xf32, #tpu.memory_space<vmem>>, vector<1x1x16xf32>,
      %swap3A_356 = arith.constant 0 : i32
      %swap3A_357 = arith.index_cast %swap3A_356 : i32 to index
      %swap3A_358 = arith.index_cast %scan3A_335 : i32 to index
      %swap3A_359 = arith.constant 48 : index
      %swap3A_360 = tpu.vector_load %arg8[%swap3A_357, %swap3A_358, %swap3A_359] {strides = array<i32>} : memref<2x128x128xf32, #tpu.memory_space<vmem>>, vector<1x1x16xf32>,
      %swap3A_361 = vector.shape_cast %swap3A_360 : vector<1x1x16xf32> to vector<16xf32>
      %swap3A_362 = vector.shape_cast %broadcast_in_dim3A_15 : vector<16xf32> to vector<1x1x16xf32>
      tpu.vector_store %arg8[%swap3A_357, %swap3A_358, %swap3A_359], %swap3A_362 {strides = array<i32>} : memref<2x128x128xf32, #tpu.memory_space<vmem>>, vector<1x1x16xf32>,
      %swap3A_363 = arith.constant 0 : i32
      %swap3A_364 = arith.index_cast %swap3A_363 : i32 to index
      %swap3A_365 = arith.index_cast %scan3A_335 : i32 to index
      %swap3A_366 = arith.constant 64 : index
      %swap3A_367 = tpu.vector_load %arg8[%swap3A_364, %swap3A_365, %swap3A_366] {strides = array<i32>} : memref<2x128x128xf32, #tpu.memory_space<vmem>>, vector<1x1x16xf32>,
      %swap3A_368 = vector.shape_cast %swap3A_367 : vector<1x1x16xf32> to vector<16xf32>
      %swap3A_369 = vector.shape_cast %broadcast_in_dim3A_15 : vector<16xf32> to vector<1x1x16xf32>
      tpu.vector_store %arg8[%swap3A_364, %swap3A_365, %swap3A_366], %swap3A_369 {strides = array<i32>} : memref<2x128x128xf32, #tpu.memory_space<vmem>>, vector<1x1x16xf32>,
      %swap3A_370 = arith.constant 0 : i32
      %swap3A_371 = arith.index_cast %swap3A_370 : i32 to index
      %swap3A_372 = arith.index_cast %scan3A_335 : i32 to index
      %swap3A_373 = arith.constant 80 : index
      %swap3A_374 = tpu.vector_load %arg8[%swap3A_371, %swap3A_372, %swap3A_373] {strides = array<i32>} : memref<2x128x128xf32, #tpu.memory_space<vmem>>, vector<1x1x16xf32>,
      %swap3A_375 = vector.shape_cast %swap3A_374 : vector<1x1x16xf32> to vector<16xf32>
      %swap3A_376 = vector.shape_cast %broadcast_in_dim3A_15 : vector<16xf32> to vector<1x1x16xf32>
      tpu.vector_store %arg8[%swap3A_371, %swap3A_372, %swap3A_373], %swap3A_376 {strides = array<i32>} : memref<2x128x128xf32, #tpu.memory_space<vmem>>, vector<1x1x16xf32>,
      %swap3A_377 = arith.constant 0 : i32
      %swap3A_378 = arith.index_cast %swap3A_377 : i32 to index
      %swap3A_379 = arith.index_cast %scan3A_335 : i32 to index
      %swap3A_380 = arith.constant 96 : index
      %swap3A_381 = tpu.vector_load %arg8[%swap3A_378, %swap3A_379, %swap3A_380] {strides = array<i32>} : memref<2x128x128xf32, #tpu.memory_space<vmem>>, vector<1x1x16xf32>,
      %swap3A_382 = vector.shape_cast %swap3A_381 : vector<1x1x16xf32> to vector<16xf32>
      %swap3A_383 = vector.shape_cast %broadcast_in_dim3A_15 : vector<16xf32> to vector<1x1x16xf32>
      tpu.vector_store %arg8[%swap3A_378, %swap3A_379, %swap3A_380], %swap3A_383 {strides = array<i32>} : memref<2x128x128xf32, #tpu.memory_space<vmem>>, vector<1x1x16xf32>,
      %swap3A_384 = arith.constant 0 : i32
      %swap3A_385 = arith.index_cast %swap3A_384 : i32 to index
      %swap3A_386 = arith.index_cast %scan3A_335 : i32 to index
      %swap3A_387 = arith.constant 112 : index
      %swap3A_388 = tpu.vector_load %arg8[%swap3A_385, %swap3A_386, %swap3A_387] {strides = array<i32>} : memref<2x128x128xf32, #tpu.memory_space<vmem>>, vector<1x1x16xf32>,
      %swap3A_389 = vector.shape_cast %swap3A_388 : vector<1x1x16xf32> to vector<16xf32>
      %swap3A_390 = vector.shape_cast %broadcast_in_dim3A_15 : vector<16xf32> to vector<1x1x16xf32>
      tpu.vector_store %arg8[%swap3A_385, %swap3A_386, %swap3A_387], %swap3A_390 {strides = array<i32>} : memref<2x128x128xf32, #tpu.memory_space<vmem>>, vector<1x1x16xf32>,
    }
    %scan3A_20 = arith.constant 128 : i32
    %mul3A_21 = arith.constant 624 : i32
    %mul3A_22 = arith.muli %arg1, %mul3A_21 : i32
    %add3A_23 = arith.constant 0 : i32
    %add3A_24 = arith.addi %mul3A_22, %add3A_23 : i32
    %dma_start3A_25 = arith.constant 0 : i32
    %dma_start3A_26 = arith.constant 0 : i32
    %dma_start3A_27 = arith.constant 0 : i32
    %dma_start3A_28 = tpu.memref_slice %arg8[%dma_start3A_25, %dma_start3A_26, %dma_start3A_27] : memref<2x128x128xf32, #tpu.memory_space<vmem>> -> memref<1x128x128xf32, #tpu.memory_space<vmem>>
    %dma_start3A_29 = tpu.memref_squeeze %dma_start3A_28 : memref<1x128x128xf32, #tpu.memory_space<vmem>> -> memref<128x128xf32, #tpu.memory_space<vmem>>
    %dma_start3A_30 = arith.constant 0 : i32
    %dma_start3A_31 = tpu.memref_slice %arg10[%add3A_24, %dma_start3A_30] : memref<10000x128xf32, #tpu.memory_space<vmem_shared>> -> memref<128x128xf32, #tpu.memory_space<vmem_shared>>
    %dma_start3A_32 = arith.constant 0 : i32
    %dma_start3A_33 = tpu.memref_slice %arg10[%add3A_24, %dma_start3A_32] : memref<10000x128xf32, #tpu.memory_space<vmem_shared>> -> memref<128x128xf32, #tpu.memory_space<vmem_shared>>
    %dma_start3A_34 = arith.constant 0 : i32
    %dma_start3A_35 = arith.constant 0 : i32
    %dma_start3A_36 = tpu.memref_slice %arg8[%dma_start3A_25, %dma_start3A_34, %dma_start3A_35] : memref<2x128x128xf32, #tpu.memory_space<vmem>> -> memref<1x128x128xf32, #tpu.memory_space<vmem>>
    %dma_start3A_37 = tpu.memref_squeeze %dma_start3A_36 : memref<1x128x128xf32, #tpu.memory_space<vmem>> -> memref<128x128xf32, #tpu.memory_space<vmem>>
    tpu.enqueue_dma source(%dma_start3A_37 : memref<128x128xf32, #tpu.memory_space<vmem>>) target(%dma_start3A_33 : memref<128x128xf32, #tpu.memory_space<vmem_shared>>) target_semaphore(%arg14 : memref<!tpu.dma_semaphore, #tpu.memory_space<semaphore_mem>>)
    %add3A_38 = arith.constant 128 : i32
    %add3A_39 = arith.addi %mul3A_22, %add3A_38 : i32
    %dma_start3A_40 = arith.constant 0 : i32
    %dma_start3A_41 = arith.constant 0 : i32
    %dma_start3A_42 = arith.constant 0 : i32
    %dma_start3A_43 = tpu.memref_slice %arg8[%dma_start3A_40, %dma_start3A_41, %dma_start3A_42] : memref<2x128x128xf32, #tpu.memory_space<vmem>> -> memref<1x128x128xf32, #tpu.memory_space<vmem>>
    %dma_start3A_44 = tpu.memref_squeeze %dma_start3A_43 : memref<1x128x128xf32, #tpu.memory_space<vmem>> -> memref<128x128xf32, #tpu.memory_space<vmem>>
    %dma_start3A_45 = arith.constant 0 : i32
    %dma_start3A_46 = tpu.memref_slice %arg10[%add3A_39, %dma_start3A_45] : memref<10000x128xf32, #tpu.memory_space<vmem_shared>> -> memref<128x128xf32, #tpu.memory_space<vmem_shared>>
    %dma_start3A_47 = arith.constant 0 : i32
    %dma_start3A_48 = tpu.memref_slice %arg10[%add3A_39, %dma_start3A_47] : memref<10000x128xf32, #tpu.memory_space<vmem_shared>> -> memref<128x128xf32, #tpu.memory_space<vmem_shared>>
    %dma_start3A_49 = arith.constant 0 : i32
    %dma_start3A_50 = arith.constant 0 : i32
    %dma_start3A_51 = tpu.memref_slice %arg8[%dma_start3A_40, %dma_start3A_49, %dma_start3A_50] : memref<2x128x128xf32, #tpu.memory_space<vmem>> -> memref<1x128x128xf32, #tpu.memory_space<vmem>>
    %dma_start3A_52 = tpu.memref_squeeze %dma_start3A_51 : memref<1x128x128xf32, #tpu.memory_space<vmem>> -> memref<128x128xf32, #tpu.memory_space<vmem>>
    tpu.enqueue_dma source(%dma_start3A_52 : memref<128x128xf32, #tpu.memory_space<vmem>>) target(%dma_start3A_48 : memref<128x128xf32, #tpu.memory_space<vmem_shared>>) target_semaphore(%arg14 : memref<!tpu.dma_semaphore, #tpu.memory_space<semaphore_mem>>)
    %add3A_53 = arith.constant 256 : i32
    %add3A_54 = arith.addi %mul3A_22, %add3A_53 : i32
    %dma_start3A_55 = arith.constant 0 : i32
    %dma_start3A_56 = arith.constant 0 : i32
    %dma_start3A_57 = arith.constant 0 : i32
    %dma_start3A_58 = tpu.memref_slice %arg8[%dma_start3A_55, %dma_start3A_56, %dma_start3A_57] : memref<2x128x128xf32, #tpu.memory_space<vmem>> -> memref<1x128x128xf32, #tpu.memory_space<vmem>>
    %dma_start3A_59 = tpu.memref_squeeze %dma_start3A_58 : memref<1x128x128xf32, #tpu.memory_space<vmem>> -> memref<128x128xf32, #tpu.memory_space<vmem>>
    %dma_start3A_60 = arith.constant 0 : i32
    %dma_start3A_61 = tpu.memref_slice %arg10[%add3A_54, %dma_start3A_60] : memref<10000x128xf32, #tpu.memory_space<vmem_shared>> -> memref<128x128xf32, #tpu.memory_space<vmem_shared>>
    %dma_start3A_62 = arith.constant 0 : i32
    %dma_start3A_63 = tpu.memref_slice %arg10[%add3A_54, %dma_start3A_62] : memref<10000x128xf32, #tpu.memory_space<vmem_shared>> -> memref<128x128xf32, #tpu.memory_space<vmem_shared>>
    %dma_start3A_64 = arith.constant 0 : i32
    %dma_start3A_65 = arith.constant 0 : i32
    %dma_start3A_66 = tpu.memref_slice %arg8[%dma_start3A_55, %dma_start3A_64, %dma_start3A_65] : memref<2x128x128xf32, #tpu.memory_space<vmem>> -> memref<1x128x128xf32, #tpu.memory_space<vmem>>
    %dma_start3A_67 = tpu.memref_squeeze %dma_start3A_66 : memref<1x128x128xf32, #tpu.memory_space<vmem>> -> memref<128x128xf32, #tpu.memory_space<vmem>>
    tpu.enqueue_dma source(%dma_start3A_67 : memref<128x128xf32, #tpu.memory_space<vmem>>) target(%dma_start3A_63 : memref<128x128xf32, #tpu.memory_space<vmem_shared>>) target_semaphore(%arg14 : memref<!tpu.dma_semaphore, #tpu.memory_space<semaphore_mem>>)
    %add3A_68 = arith.constant 384 : i32
    %add3A_69 = arith.addi %mul3A_22, %add3A_68 : i32
    %dma_start3A_70 = arith.constant 0 : i32
    %dma_start3A_71 = arith.constant 0 : i32
    %dma_start3A_72 = arith.constant 0 : i32
    %dma_start3A_73 = tpu.memref_slice %arg8[%dma_start3A_70, %dma_start3A_71, %dma_start3A_72] : memref<2x128x128xf32, #tpu.memory_space<vmem>> -> memref<1x128x128xf32, #tpu.memory_space<vmem>>
    %dma_start3A_74 = tpu.memref_squeeze %dma_start3A_73 : memref<1x128x128xf32, #tpu.memory_space<vmem>> -> memref<128x128xf32, #tpu.memory_space<vmem>>
    %dma_start3A_75 = arith.constant 0 : i32
    %dma_start3A_76 = tpu.memref_slice %arg10[%add3A_69, %dma_start3A_75] : memref<10000x128xf32, #tpu.memory_space<vmem_shared>> -> memref<128x128xf32, #tpu.memory_space<vmem_shared>>
    %dma_start3A_77 = arith.constant 0 : i32
    %dma_start3A_78 = tpu.memref_slice %arg10[%add3A_69, %dma_start3A_77] : memref<10000x128xf32, #tpu.memory_space<vmem_shared>> -> memref<128x128xf32, #tpu.memory_space<vmem_shared>>
    %dma_start3A_79 = arith.constant 0 : i32
    %dma_start3A_80 = arith.constant 0 : i32
    %dma_start3A_81 = tpu.memref_slice %arg8[%dma_start3A_70, %dma_start3A_79, %dma_start3A_80] : memref<2x128x128xf32, #tpu.memory_space<vmem>> -> memref<1x128x128xf32, #tpu.memory_space<vmem>>
    %dma_start3A_82 = tpu.memref_squeeze %dma_start3A_81 : memref<1x128x128xf32, #tpu.memory_space<vmem>> -> memref<128x128xf32, #tpu.memory_space<vmem>>
    tpu.enqueue_dma source(%dma_start3A_82 : memref<128x128xf32, #tpu.memory_space<vmem>>) target(%dma_start3A_78 : memref<128x128xf32, #tpu.memory_space<vmem_shared>>) target_semaphore(%arg14 : memref<!tpu.dma_semaphore, #tpu.memory_space<semaphore_mem>>)
    %add3A_83 = arith.constant 512 : i32
    %add3A_84 = arith.addi %mul3A_22, %add3A_83 : i32
    %dma_start3A_85 = arith.constant 0 : i32
    %dma_start3A_86 = arith.constant 0 : i32
    %dma_start3A_87 = arith.constant 0 : i32
    %dma_start3A_88 = tpu.memref_slice %arg8[%dma_start3A_85, %dma_start3A_86, %dma_start3A_87] : memref<2x128x128xf32, #tpu.memory_space<vmem>> -> memref<1x112x128xf32, #tpu.memory_space<vmem>>
    %dma_start3A_89 = tpu.memref_squeeze %dma_start3A_88 : memref<1x112x128xf32, #tpu.memory_space<vmem>> -> memref<112x128xf32, #tpu.memory_space<vmem>>
    %dma_start3A_90 = arith.constant 0 : i32
    %dma_start3A_91 = tpu.memref_slice %arg10[%add3A_84, %dma_start3A_90] : memref<10000x128xf32, #tpu.memory_space<vmem_shared>> -> memref<112x128xf32, #tpu.memory_space<vmem_shared>>
    %dma_start3A_92 = arith.constant 0 : i32
    %dma_start3A_93 = tpu.memref_slice %arg10[%add3A_84, %dma_start3A_92] : memref<10000x128xf32, #tpu.memory_space<vmem_shared>> -> memref<112x128xf32, #tpu.memory_space<vmem_shared>>
    %dma_start3A_94 = arith.constant 0 : i32
    %dma_start3A_95 = arith.constant 0 : i32
    %dma_start3A_96 = tpu.memref_slice %arg8[%dma_start3A_85, %dma_start3A_94, %dma_start3A_95] : memref<2x128x128xf32, #tpu.memory_space<vmem>> -> memref<1x112x128xf32, #tpu.memory_space<vmem>>
    %dma_start3A_97 = tpu.memref_squeeze %dma_start3A_96 : memref<1x112x128xf32, #tpu.memory_space<vmem>> -> memref<112x128xf32, #tpu.memory_space<vmem>>
    tpu.enqueue_dma source(%dma_start3A_97 : memref<112x128xf32, #tpu.memory_space<vmem>>) target(%dma_start3A_93 : memref<112x128xf32, #tpu.memory_space<vmem_shared>>) target_semaphore(%arg14 : memref<!tpu.dma_semaphore, #tpu.memory_space<semaphore_mem>>)
    %dma_wait3A = arith.constant 0 : i32
    %dma_wait3A_98 = tpu.memref_slice %arg3[%dma_wait3A, %multiple_of3A] : memref<2x320000xi32, #tpu.memory_space<hbm>> -> memref<1x5120xi32, #tpu.memory_space<hbm>>
    %dma_wait3A_99 = tpu.memref_squeeze %dma_wait3A_98 : memref<1x5120xi32, #tpu.memory_space<hbm>> -> memref<5120xi32, #tpu.memory_space<hbm>>
    %dma_wait3A_100 = tpu.memref_slice %arg3[%dma_wait3A, %multiple_of3A] : memref<2x320000xi32, #tpu.memory_space<hbm>> -> memref<1x5120xi32, #tpu.memory_space<hbm>>
    %dma_wait3A_101 = tpu.memref_squeeze %dma_wait3A_100 : memref<1x5120xi32, #tpu.memory_space<hbm>> -> memref<5120xi32, #tpu.memory_space<hbm>>
    tpu.wait_dma2 semaphore(%arg11 : memref<!tpu.dma_semaphore, #tpu.memory_space<semaphore_mem>>) src(%dma_wait3A_101 : memref<5120xi32, #tpu.memory_space<hbm>>) dst(%arg6 : memref<5120xi32, #tpu.memory_space<vmem>>)
    %dma_wait3A_102 = arith.constant 1 : i32
    %dma_wait3A_103 = tpu.memref_slice %arg3[%dma_wait3A_102, %multiple_of3A] : memref<2x320000xi32, #tpu.memory_space<hbm>> -> memref<1x5120xi32, #tpu.memory_space<hbm>>
    %dma_wait3A_104 = tpu.memref_squeeze %dma_wait3A_103 : memref<1x5120xi32, #tpu.memory_space<hbm>> -> memref<5120xi32, #tpu.memory_space<hbm>>
    %dma_wait3A_105 = tpu.memref_slice %arg3[%dma_wait3A_102, %multiple_of3A] : memref<2x320000xi32, #tpu.memory_space<hbm>> -> memref<1x5120xi32, #tpu.memory_space<hbm>>
    %dma_wait3A_106 = tpu.memref_squeeze %dma_wait3A_105 : memref<1x5120xi32, #tpu.memory_space<hbm>> -> memref<5120xi32, #tpu.memory_space<hbm>>
    tpu.wait_dma2 semaphore(%arg12 : memref<!tpu.dma_semaphore, #tpu.memory_space<semaphore_mem>>) src(%dma_wait3A_106 : memref<5120xi32, #tpu.memory_space<hbm>>) dst(%arg7 : memref<5120xi32, #tpu.memory_space<vmem>>)
    %add3A_107 = arith.constant 0 : i32
    %add3A_108 = arith.addi %rem3A_5, %add3A_107 : i32
    %dma_start3A_109 = arith.constant 1 : i32
    %dma_start3A_110 = arith.constant 0 : i32
    %dma_start3A_111 = arith.constant 0 : i32
    %dma_start3A_112 = tpu.memref_slice %arg8[%dma_start3A_109, %dma_start3A_110, %dma_start3A_111] : memref<2x128x128xf32, #tpu.memory_space<vmem>> -> memref<1x128x128xf32, #tpu.memory_space<vmem>>
    %dma_start3A_113 = tpu.memref_squeeze %dma_start3A_112 : memref<1x128x128xf32, #tpu.memory_space<vmem>> -> memref<128x128xf32, #tpu.memory_space<vmem>>
    %dma_start3A_114 = tpu.memref_slice %arg6[%add3A_108] : memref<5120xi32, #tpu.memory_space<vmem>> -> memref<128xi32, #tpu.memory_space<vmem>>
    %dma_start3A_115 = arith.constant 0 : i32
    %dma_start3A_116 = arith.constant 0 : i32
    %dma_start3A_117 = tpu.memref_slice %arg2[%dma_start3A_115, %dma_start3A_116] : memref<10000x128xf32, #tpu.memory_space<hbm>> -> memref<10000x128xf32, #tpu.memory_space<hbm>>
    tpu.enqueue_indirect_dma source(%dma_start3A_117 : memref<10000x128xf32, #tpu.memory_space<hbm>>) target(%dma_start3A_113 : memref<128x128xf32, #tpu.memory_space<vmem>>) offsets(%dma_start3A_114 : memref<128xi32, #tpu.memory_space<vmem>>) semaphore(%arg12 : memref<!tpu.dma_semaphore, #tpu.memory_space<semaphore_mem>>)
    %dma_wait3A_118 = arith.constant 0 : i32
    %dma_wait3A_119 = arith.constant 0 : i32
    %dma_wait3A_120 = arith.constant 0 : i32
    %dma_wait3A_121 = tpu.memref_slice %arg8[%dma_wait3A_118, %dma_wait3A_119, %dma_wait3A_120] : memref<2x128x128xf32, #tpu.memory_space<vmem>> -> memref<1x128x128xf32, #tpu.memory_space<vmem>>
    %dma_wait3A_122 = tpu.memref_squeeze %dma_wait3A_121 : memref<1x128x128xf32, #tpu.memory_space<vmem>> -> memref<128x128xf32, #tpu.memory_space<vmem>>
    %dma_wait3A_123 = arith.constant 0 : i32
    %dma_wait3A_124 = tpu.memref_slice %arg10[%add3A_24, %dma_wait3A_123] : memref<10000x128xf32, #tpu.memory_space<vmem_shared>> -> memref<128x128xf32, #tpu.memory_space<vmem_shared>>
    %dma_wait3A_125 = arith.constant 0 : i32
    %dma_wait3A_126 = tpu.memref_slice %arg10[%add3A_24, %dma_wait3A_125] : memref<10000x128xf32, #tpu.memory_space<vmem_shared>> -> memref<128x128xf32, #tpu.memory_space<vmem_shared>>
    %dma_wait3A_127 = arith.constant 0 : i32
    %dma_wait3A_128 = arith.constant 0 : i32
    %dma_wait3A_129 = tpu.memref_slice %arg8[%dma_wait3A_118, %dma_wait3A_127, %dma_wait3A_128] : memref<2x128x128xf32, #tpu.memory_space<vmem>> -> memref<1x128x128xf32, #tpu.memory_space<vmem>>
    %dma_wait3A_130 = tpu.memref_squeeze %dma_wait3A_129 : memref<1x128x128xf32, #tpu.memory_space<vmem>> -> memref<128x128xf32, #tpu.memory_space<vmem>>
    tpu.wait_dma2 semaphore(%arg14 : memref<!tpu.dma_semaphore, #tpu.memory_space<semaphore_mem>>) src(%dma_wait3A_130 : memref<128x128xf32, #tpu.memory_space<vmem>>) dst(%dma_wait3A_126 : memref<128x128xf32, #tpu.memory_space<vmem_shared>>)
    %dma_wait3A_131 = arith.constant 0 : i32
    %dma_wait3A_132 = arith.constant 0 : i32
    %dma_wait3A_133 = arith.constant 0 : i32
    %dma_wait3A_134 = tpu.memref_slice %arg8[%dma_wait3A_131, %dma_wait3A_132, %dma_wait3A_133] : memref<2x128x128xf32, #tpu.memory_space<vmem>> -> memref<1x128x128xf32, #tpu.memory_space<vmem>>
    %dma_wait3A_135 = tpu.memref_squeeze %dma_wait3A_134 : memref<1x128x128xf32, #tpu.memory_space<vmem>> -> memref<128x128xf32, #tpu.memory_space<vmem>>
    %dma_wait3A_136 = arith.constant 0 : i32
    %dma_wait3A_137 = tpu.memref_slice %arg10[%add3A_39, %dma_wait3A_136] : memref<10000x128xf32, #tpu.memory_space<vmem_shared>> -> memref<128x128xf32, #tpu.memory_space<vmem_shared>>
    %dma_wait3A_138 = arith.constant 0 : i32
    %dma_wait3A_139 = tpu.memref_slice %arg10[%add3A_39, %dma_wait3A_138] : memref<10000x128xf32, #tpu.memory_space<vmem_shared>> -> memref<128x128xf32, #tpu.memory_space<vmem_shared>>
    %dma_wait3A_140 = arith.constant 0 : i32
    %dma_wait3A_141 = arith.constant 0 : i32
    %dma_wait3A_142 = tpu.memref_slice %arg8[%dma_wait3A_131, %dma_wait3A_140, %dma_wait3A_141] : memref<2x128x128xf32, #tpu.memory_space<vmem>> -> memref<1x128x128xf32, #tpu.memory_space<vmem>>
    %dma_wait3A_143 = tpu.memref_squeeze %dma_wait3A_142 : memref<1x128x128xf32, #tpu.memory_space<vmem>> -> memref<128x128xf32, #tpu.memory_space<vmem>>
    tpu.wait_dma2 semaphore(%arg14 : memref<!tpu.dma_semaphore, #tpu.memory_space<semaphore_mem>>) src(%dma_wait3A_143 : memref<128x128xf32, #tpu.memory_space<vmem>>) dst(%dma_wait3A_139 : memref<128x128xf32, #tpu.memory_space<vmem_shared>>)
    %dma_wait3A_144 = arith.constant 0 : i32
    %dma_wait3A_145 = arith.constant 0 : i32
    %dma_wait3A_146 = arith.constant 0 : i32
    %dma_wait3A_147 = tpu.memref_slice %arg8[%dma_wait3A_144, %dma_wait3A_145, %dma_wait3A_146] : memref<2x128x128xf32, #tpu.memory_space<vmem>> -> memref<1x128x128xf32, #tpu.memory_space<vmem>>
    %dma_wait3A_148 = tpu.memref_squeeze %dma_wait3A_147 : memref<1x128x128xf32, #tpu.memory_space<vmem>> -> memref<128x128xf32, #tpu.memory_space<vmem>>
    %dma_wait3A_149 = arith.constant 0 : i32
    %dma_wait3A_150 = tpu.memref_slice %arg10[%add3A_54, %dma_wait3A_149] : memref<10000x128xf32, #tpu.memory_space<vmem_shared>> -> memref<128x128xf32, #tpu.memory_space<vmem_shared>>
    %dma_wait3A_151 = arith.constant 0 : i32
    %dma_wait3A_152 = tpu.memref_slice %arg10[%add3A_54, %dma_wait3A_151] : memref<10000x128xf32, #tpu.memory_space<vmem_shared>> -> memref<128x128xf32, #tpu.memory_space<vmem_shared>>
    %dma_wait3A_153 = arith.constant 0 : i32
    %dma_wait3A_154 = arith.constant 0 : i32
    %dma_wait3A_155 = tpu.memref_slice %arg8[%dma_wait3A_144, %dma_wait3A_153, %dma_wait3A_154] : memref<2x128x128xf32, #tpu.memory_space<vmem>> -> memref<1x128x128xf32, #tpu.memory_space<vmem>>
    %dma_wait3A_156 = tpu.memref_squeeze %dma_wait3A_155 : memref<1x128x128xf32, #tpu.memory_space<vmem>> -> memref<128x128xf32, #tpu.memory_space<vmem>>
    tpu.wait_dma2 semaphore(%arg14 : memref<!tpu.dma_semaphore, #tpu.memory_space<semaphore_mem>>) src(%dma_wait3A_156 : memref<128x128xf32, #tpu.memory_space<vmem>>) dst(%dma_wait3A_152 : memref<128x128xf32, #tpu.memory_space<vmem_shared>>)
    %dma_wait3A_157 = arith.constant 0 : i32
    %dma_wait3A_158 = arith.constant 0 : i32
    %dma_wait3A_159 = arith.constant 0 : i32
    %dma_wait3A_160 = tpu.memref_slice %arg8[%dma_wait3A_157, %dma_wait3A_158, %dma_wait3A_159] : memref<2x128x128xf32, #tpu.memory_space<vmem>> -> memref<1x128x128xf32, #tpu.memory_space<vmem>>
    %dma_wait3A_161 = tpu.memref_squeeze %dma_wait3A_160 : memref<1x128x128xf32, #tpu.memory_space<vmem>> -> memref<128x128xf32, #tpu.memory_space<vmem>>
    %dma_wait3A_162 = arith.constant 0 : i32
    %dma_wait3A_163 = tpu.memref_slice %arg10[%add3A_69, %dma_wait3A_162] : memref<10000x128xf32, #tpu.memory_space<vmem_shared>> -> memref<128x128xf32, #tpu.memory_space<vmem_shared>>
    %dma_wait3A_164 = arith.constant 0 : i32
    %dma_wait3A_165 = tpu.memref_slice %arg10[%add3A_69, %dma_wait3A_164] : memref<10000x128xf32, #tpu.memory_space<vmem_shared>> -> memref<128x128xf32, #tpu.memory_space<vmem_shared>>
    %dma_wait3A_166 = arith.constant 0 : i32
    %dma_wait3A_167 = arith.constant 0 : i32
    %dma_wait3A_168 = tpu.memref_slice %arg8[%dma_wait3A_157, %dma_wait3A_166, %dma_wait3A_167] : memref<2x128x128xf32, #tpu.memory_space<vmem>> -> memref<1x128x128xf32, #tpu.memory_space<vmem>>
    %dma_wait3A_169 = tpu.memref_squeeze %dma_wait3A_168 : memref<1x128x128xf32, #tpu.memory_space<vmem>> -> memref<128x128xf32, #tpu.memory_space<vmem>>
    tpu.wait_dma2 semaphore(%arg14 : memref<!tpu.dma_semaphore, #tpu.memory_space<semaphore_mem>>) src(%dma_wait3A_169 : memref<128x128xf32, #tpu.memory_space<vmem>>) dst(%dma_wait3A_165 : memref<128x128xf32, #tpu.memory_space<vmem_shared>>)
    %dma_wait3A_170 = arith.constant 0 : i32
    %dma_wait3A_171 = arith.constant 0 : i32
    %dma_wait3A_172 = arith.constant 0 : i32
    %dma_wait3A_173 = tpu.memref_slice %arg8[%dma_wait3A_170, %dma_wait3A_171, %dma_wait3A_172] : memref<2x128x128xf32, #tpu.memory_space<vmem>> -> memref<1x112x128xf32, #tpu.memory_space<vmem>>
    %dma_wait3A_174 = tpu.memref_squeeze %dma_wait3A_173 : memref<1x112x128xf32, #tpu.memory_space<vmem>> -> memref<112x128xf32, #tpu.memory_space<vmem>>
    %dma_wait3A_175 = arith.constant 0 : i32
    %dma_wait3A_176 = tpu.memref_slice %arg10[%add3A_84, %dma_wait3A_175] : memref<10000x128xf32, #tpu.memory_space<vmem_shared>> -> memref<112x128xf32, #tpu.memory_space<vmem_shared>>
    %dma_wait3A_177 = arith.constant 0 : i32
    %dma_wait3A_178 = tpu.memref_slice %arg10[%add3A_84, %dma_wait3A_177] : memref<10000x128xf32, #tpu.memory_space<vmem_shared>> -> memref<112x128xf32, #tpu.memory_space<vmem_shared>>
    %dma_wait3A_179 = arith.constant 0 : i32
    %dma_wait3A_180 = arith.constant 0 : i32
    %dma_wait3A_181 = tpu.memref_slice %arg8[%dma_wait3A_170, %dma_wait3A_179, %dma_wait3A_180] : memref<2x128x128xf32, #tpu.memory_space<vmem>> -> memref<1x112x128xf32, #tpu.memory_space<vmem>>
    %dma_wait3A_182 = tpu.memref_squeeze %dma_wait3A_181 : memref<1x112x128xf32, #tpu.memory_space<vmem>> -> memref<112x128xf32, #tpu.memory_space<vmem>>
    tpu.wait_dma2 semaphore(%arg14 : memref<!tpu.dma_semaphore, #tpu.memory_space<semaphore_mem>>) src(%dma_wait3A_182 : memref<112x128xf32, #tpu.memory_space<vmem>>) dst(%dma_wait3A_178 : memref<112x128xf32, #tpu.memory_space<vmem_shared>>)
    %eq3A = arith.constant 15 : i32
    %eq3A_183 = arith.cmpi eq, %arg1, %eq3A : i32
    %convert_element_type3A = arith.extui %eq3A_183 : i1 to i32
    %cond3A = arith.constant 0 : i32
    %cond3A_184 = arith.cmpi ne, %convert_element_type3A, %cond3A : i32
    scf.if %cond3A_184 {
      %run_scoped3A = arith.constant 0 : i32
      "tpu.region"() ({
        %run_scoped3A_335 = tpu.sem_alloc : memref<!tpu.dma_semaphore, #tpu.memory_space<semaphore_mem>>
        %dma_start3A_336 = arith.constant 0 : i32
        %dma_start3A_337 = arith.constant 0 : i32
        %dma_start3A_338 = tpu.memref_slice %arg8[%run_scoped3A, %dma_start3A_336, %dma_start3A_337] : memref<2x128x128xf32, #tpu.memory_space<vmem>> -> memref<1x16x128xf32, #tpu.memory_space<vmem>>
        %dma_start3A_339 = tpu.memref_squeeze %dma_start3A_338 : memref<1x16x128xf32, #tpu.memory_space<vmem>> -> memref<16x128xf32, #tpu.memory_space<vmem>>
        %dma_start3A_340 = arith.constant 9984 : i32
        %dma_start3A_341 = arith.constant 0 : i32
        %dma_start3A_342 = tpu.memref_slice %arg10[%dma_start3A_340, %dma_start3A_341] : memref<10000x128xf32, #tpu.memory_space<vmem_shared>> -> memref<16x128xf32, #tpu.memory_space<vmem_shared>>
        %dma_start3A_343 = arith.constant 9984 : i32
        %dma_start3A_344 = arith.constant 0 : i32
        %dma_start3A_345 = tpu.memref_slice %arg10[%dma_start3A_343, %dma_start3A_344] : memref<10000x128xf32, #tpu.memory_space<vmem_shared>> -> memref<16x128xf32, #tpu.memory_space<vmem_shared>>
        %dma_start3A_346 = arith.constant 0 : i32
        %dma_start3A_347 = arith.constant 0 : i32
        %dma_start3A_348 = tpu.memref_slice %arg8[%run_scoped3A, %dma_start3A_346, %dma_start3A_347] : memref<2x128x128xf32, #tpu.memory_space<vmem>> -> memref<1x16x128xf32, #tpu.memory_space<vmem>>
        %dma_start3A_349 = tpu.memref_squeeze %dma_start3A_348 : memref<1x16x128xf32, #tpu.memory_space<vmem>> -> memref<16x128xf32, #tpu.memory_space<vmem>>
        tpu.enqueue_dma source(%dma_start3A_349 : memref<16x128xf32, #tpu.memory_space<vmem>>) target(%dma_start3A_345 : memref<16x128xf32, #tpu.memory_space<vmem_shared>>) target_semaphore(%run_scoped3A_335 : memref<!tpu.dma_semaphore, #tpu.memory_space<semaphore_mem>>)
        %dma_wait3A_350 = arith.constant 0 : i32
        %dma_wait3A_351 = arith.constant 0 : i32
        %dma_wait3A_352 = tpu.memref_slice %arg8[%run_scoped3A, %dma_wait3A_350, %dma_wait3A_351] : memref<2x128x128xf32, #tpu.memory_space<vmem>> -> memref<1x16x128xf32, #tpu.memory_space<vmem>>
        %dma_wait3A_353 = tpu.memref_squeeze %dma_wait3A_352 : memref<1x16x128xf32, #tpu.memory_space<vmem>> -> memref<16x128xf32, #tpu.memory_space<vmem>>
        %dma_wait3A_354 = arith.constant 9984 : i32
        %dma_wait3A_355 = arith.constant 0 : i32
        %dma_wait3A_356 = tpu.memref_slice %arg10[%dma_wait3A_354, %dma_wait3A_355] : memref<10000x128xf32, #tpu.memory_space<vmem_shared>> -> memref<16x128xf32, #tpu.memory_space<vmem_shared>>
        %dma_wait3A_357 = arith.constant 9984 : i32
        %dma_wait3A_358 = arith.constant 0 : i32
        %dma_wait3A_359 = tpu.memref_slice %arg10[%dma_wait3A_357, %dma_wait3A_358] : memref<10000x128xf32, #tpu.memory_space<vmem_shared>> -> memref<16x128xf32, #tpu.memory_space<vmem_shared>>
        %dma_wait3A_360 = arith.constant 0 : i32
        %dma_wait3A_361 = arith.constant 0 : i32
        %dma_wait3A_362 = tpu.memref_slice %arg8[%run_scoped3A, %dma_wait3A_360, %dma_wait3A_361] : memref<2x128x128xf32, #tpu.memory_space<vmem>> -> memref<1x16x128xf32, #tpu.memory_space<vmem>>
        %dma_wait3A_363 = tpu.memref_squeeze %dma_wait3A_362 : memref<1x16x128xf32, #tpu.memory_space<vmem>> -> memref<16x128xf32, #tpu.memory_space<vmem>>
        tpu.wait_dma2 semaphore(%run_scoped3A_335 : memref<!tpu.dma_semaphore, #tpu.memory_space<semaphore_mem>>) src(%dma_wait3A_363 : memref<16x128xf32, #tpu.memory_space<vmem>>) dst(%dma_wait3A_359 : memref<16x128xf32, #tpu.memory_space<vmem_shared>>)
        tpu.yield
      }) : () -> ()
    } else {
    }
    %barrier3A = arith.constant 0 : index
    tpu.barrier barrier_id(%barrier3A)
    %scan3A_185 = arith.constant 0 : i32
    %scan3A_186 = arith.constant 0 : i32
    %scan3A_187 = arith.constant 1 : i32
    %scan3A_188 = arith.constant 0 : i32
    %scan3A_189 = arith.constant 19 : i32
    %scan3A_190 = arith.addi %scan3A_188, %scan3A_189 : i32
    %scan3A_191 = arith.constant 1 : i32
    scf.for %scan3A_335 = %scan3A_188 to %scan3A_190 step %scan3A_191  : i32 {
      %mul3A_336 = arith.constant 2 : i32
      %mul3A_337 = arith.muli %mul3A_336, %scan3A_335 : i32
      %add3A_338 = arith.constant 1 : i32
      %add3A_339 = arith.addi %mul3A_337, %add3A_338 : i32
      %mul3A_340 = arith.constant 128 : i32
      %mul3A_341 = arith.muli %add3A_339, %mul3A_340 : i32
      %add3A_342 = arith.addi %rem3A_5, %mul3A_341 : i32
      %dma_start3A_343 = arith.constant 0 : i32
      %dma_start3A_344 = arith.constant 0 : i32
      %dma_start3A_345 = tpu.memref_slice %arg8[%scan3A_186, %dma_start3A_343, %dma_start3A_344] : memref<2x128x128xf32, #tpu.memory_space<vmem>> -> memref<1x128x128xf32, #tpu.memory_space<vmem>>
      %dma_start3A_346 = tpu.memref_squeeze %dma_start3A_345 : memref<1x128x128xf32, #tpu.memory_space<vmem>> -> memref<128x128xf32, #tpu.memory_space<vmem>>
      %dma_start3A_347 = tpu.memref_slice %arg6[%add3A_342] : memref<5120xi32, #tpu.memory_space<vmem>> -> memref<128xi32, #tpu.memory_space<vmem>>
      %dma_start3A_348 = arith.constant 0 : i32
      %dma_start3A_349 = arith.constant 0 : i32
      %dma_start3A_350 = tpu.memref_slice %arg2[%dma_start3A_348, %dma_start3A_349] : memref<10000x128xf32, #tpu.memory_space<hbm>> -> memref<10000x128xf32, #tpu.memory_space<hbm>>
      tpu.enqueue_indirect_dma source(%dma_start3A_350 : memref<10000x128xf32, #tpu.memory_space<hbm>>) target(%dma_start3A_346 : memref<128x128xf32, #tpu.memory_space<vmem>>) offsets(%dma_start3A_347 : memref<128xi32, #tpu.memory_space<vmem>>) semaphore(%arg11 : memref<!tpu.dma_semaphore, #tpu.memory_space<semaphore_mem>>)
      %mul3A_351 = arith.constant 128 : i32
      %mul3A_352 = arith.muli %mul3A_337, %mul3A_351 : i32
      %add3A_353 = arith.addi %rem3A_5, %mul3A_352 : i32
      %dma_wait3A_354 = arith.constant 0 : i32
      %dma_wait3A_355 = arith.constant 0 : i32
      %dma_wait3A_356 = tpu.memref_slice %arg8[%scan3A_187, %dma_wait3A_354, %dma_wait3A_355] : memref<2x128x128xf32, #tpu.memory_space<vmem>> -> memref<1x128x128xf32, #tpu.memory_space<vmem>>
      %dma_wait3A_357 = tpu.memref_squeeze %dma_wait3A_356 : memref<1x128x128xf32, #tpu.memory_space<vmem>> -> memref<128x128xf32, #tpu.memory_space<vmem>>
      %dma_wait3A_358 = tpu.memref_slice %arg6[%add3A_353] : memref<5120xi32, #tpu.memory_space<vmem>> -> memref<128xi32, #tpu.memory_space<vmem>>
      %dma_wait3A_359 = arith.constant 0 : i32
      %dma_wait3A_360 = arith.constant 0 : i32
      %dma_wait3A_361 = tpu.memref_slice %arg2[%dma_wait3A_359, %dma_wait3A_360] : memref<10000x128xf32, #tpu.memory_space<hbm>> -> memref<10000x128xf32, #tpu.memory_space<hbm>>
      tpu.wait_indirect_dma semaphore(%arg12 : memref<!tpu.dma_semaphore, #tpu.memory_space<semaphore_mem>>) src(%dma_wait3A_361 : memref<10000x128xf32, #tpu.memory_space<hbm>>) dst(%dma_wait3A_357 : memref<128x128xf32, #tpu.memory_space<vmem>>)
      %mul3A_362 = arith.constant 128 : i32
      %mul3A_363 = arith.muli %mul3A_337, %mul3A_362 : i32
      %add3A_364 = arith.addi %rem3A_5, %mul3A_363 : i32
      %dma_start3A_365 = arith.constant 0 : i32
      %dma_start3A_366 = arith.constant 0 : i32
      %dma_start3A_367 = tpu.memref_slice %arg8[%scan3A_187, %dma_start3A_365, %dma_start3A_366] : memref<2x128x128xf32, #tpu.memory_space<vmem>> -> memref<1x128x128xf32, #tpu.memory_space<vmem>>
      %dma_start3A_368 = tpu.memref_squeeze %dma_start3A_367 : memref<1x128x128xf32, #tpu.memory_space<vmem>> -> memref<128x128xf32, #tpu.memory_space<vmem>>
      %dma_start3A_369 = tpu.memref_slice %arg7[%add3A_364] : memref<5120xi32, #tpu.memory_space<vmem>> -> memref<128xi32, #tpu.memory_space<vmem>>
      %dma_start3A_370 = arith.constant 0 : i32
      %dma_start3A_371 = arith.constant 0 : i32
      %dma_start3A_372 = tpu.memref_slice %arg10[%dma_start3A_370, %dma_start3A_371] : memref<10000x128xf32, #tpu.memory_space<vmem_shared>> -> memref<10000x128xf32, #tpu.memory_space<vmem_shared>>
      tpu.enqueue_indirect_dma source(%dma_start3A_368 : memref<128x128xf32, #tpu.memory_space<vmem>>) target(%dma_start3A_372 : memref<10000x128xf32, #tpu.memory_space<vmem_shared>>) offsets(%dma_start3A_369 : memref<128xi32, #tpu.memory_space<vmem>>) semaphore(%arg15 : memref<!tpu.dma_semaphore, #tpu.memory_space<semaphore_mem>>) {add = true}
      %dma_wait3A_373 = arith.constant 0 : i32
      %dma_wait3A_374 = arith.constant 0 : i32
      %dma_wait3A_375 = tpu.memref_slice %arg8[%scan3A_187, %dma_wait3A_373, %dma_wait3A_374] : memref<2x128x128xf32, #tpu.memory_space<vmem>> -> memref<1x128x128xf32, #tpu.memory_space<vmem>>
      %dma_wait3A_376 = tpu.memref_squeeze %dma_wait3A_375 : memref<1x128x128xf32, #tpu.memory_space<vmem>> -> memref<128x128xf32, #tpu.memory_space<vmem>>
      %dma_wait3A_377 = tpu.memref_slice %arg7[%add3A_364] : memref<5120xi32, #tpu.memory_space<vmem>> -> memref<128xi32, #tpu.memory_space<vmem>>
      %dma_wait3A_378 = arith.constant 0 : i32
      %dma_wait3A_379 = arith.constant 0 : i32
      %dma_wait3A_380 = tpu.memref_slice %arg10[%dma_wait3A_378, %dma_wait3A_379] : memref<10000x128xf32, #tpu.memory_space<vmem_shared>> -> memref<10000x128xf32, #tpu.memory_space<vmem_shared>>
      tpu.wait_indirect_dma semaphore(%arg15 : memref<!tpu.dma_semaphore, #tpu.memory_space<semaphore_mem>>) src(%dma_wait3A_376 : memref<128x128xf32, #tpu.memory_space<vmem>>) dst(%dma_wait3A_380 : memref<10000x128xf32, #tpu.memory_space<vmem_shared>>)
      %add3A_381 = arith.constant 2 : i32
      %add3A_382 = arith.addi %mul3A_337, %add3A_381 : i32
      %mul3A_383 = arith.constant 128 : i32
      %mul3A_384 = arith.muli %add3A_382, %mul3A_383 : i32
      %add3A_385 = arith.addi %rem3A_5, %mul3A_384 : i32
      %dma_start3A_386 = arith.constant 0 : i32
      %dma_start3A_387 = arith.constant 0 : i32
      %dma_start3A_388 = tpu.memref_slice %arg8[%scan3A_187, %dma_start3A_386, %dma_start3A_387] : memref<2x128x128xf32, #tpu.memory_space<vmem>> -> memref<1x128x128xf32, #tpu.memory_space<vmem>>
      %dma_start3A_389 = tpu.memref_squeeze %dma_start3A_388 : memref<1x128x128xf32, #tpu.memory_space<vmem>> -> memref<128x128xf32, #tpu.memory_space<vmem>>
      %dma_start3A_390 = tpu.memref_slice %arg6[%add3A_385] : memref<5120xi32, #tpu.memory_space<vmem>> -> memref<128xi32, #tpu.memory_space<vmem>>
      %dma_start3A_391 = arith.constant 0 : i32
      %dma_start3A_392 = arith.constant 0 : i32
      %dma_start3A_393 = tpu.memref_slice %arg2[%dma_start3A_391, %dma_start3A_392] : memref<10000x128xf32, #tpu.memory_space<hbm>> -> memref<10000x128xf32, #tpu.memory_space<hbm>>
      tpu.enqueue_indirect_dma source(%dma_start3A_393 : memref<10000x128xf32, #tpu.memory_space<hbm>>) target(%dma_start3A_389 : memref<128x128xf32, #tpu.memory_space<vmem>>) offsets(%dma_start3A_390 : memref<128xi32, #tpu.memory_space<vmem>>) semaphore(%arg12 : memref<!tpu.dma_semaphore, #tpu.memory_space<semaphore_mem>>)
      %mul3A_394 = arith.constant 128 : i32
      %mul3A_395 = arith.muli %add3A_339, %mul3A_394 : i32
      %add3A_396 = arith.addi %rem3A_5, %mul3A_395 : i32
      %dma_wait3A_397 = arith.constant 0 : i32
      %dma_wait3A_398 = arith.constant 0 : i32
      %dma_wait3A_399 = tpu.memref_slice %arg8[%scan3A_186, %dma_wait3A_397, %dma_wait3A_398] : memref<2x128x128xf32, #tpu.memory_space<vmem>> -> memref<1x128x128xf32, #tpu.memory_space<vmem>>
      %dma_wait3A_400 = tpu.memref_squeeze %dma_wait3A_399 : memref<1x128x128xf32, #tpu.memory_space<vmem>> -> memref<128x128xf32, #tpu.memory_space<vmem>>
      %dma_wait3A_401 = tpu.memref_slice %arg6[%add3A_396] : memref<5120xi32, #tpu.memory_space<vmem>> -> memref<128xi32, #tpu.memory_space<vmem>>
      %dma_wait3A_402 = arith.constant 0 : i32
      %dma_wait3A_403 = arith.constant 0 : i32
      %dma_wait3A_404 = tpu.memref_slice %arg2[%dma_wait3A_402, %dma_wait3A_403] : memref<10000x128xf32, #tpu.memory_space<hbm>> -> memref<10000x128xf32, #tpu.memory_space<hbm>>
      tpu.wait_indirect_dma semaphore(%arg11 : memref<!tpu.dma_semaphore, #tpu.memory_space<semaphore_mem>>) src(%dma_wait3A_404 : memref<10000x128xf32, #tpu.memory_space<hbm>>) dst(%dma_wait3A_400 : memref<128x128xf32, #tpu.memory_space<vmem>>)
      %mul3A_405 = arith.constant 128 : i32
      %mul3A_406 = arith.muli %add3A_339, %mul3A_405 : i32
      %add3A_407 = arith.addi %rem3A_5, %mul3A_406 : i32
      %dma_start3A_408 = arith.constant 0 : i32
      %dma_start3A_409 = arith.constant 0 : i32
      %dma_start3A_410 = tpu.memref_slice %arg8[%scan3A_186, %dma_start3A_408, %dma_start3A_409] : memref<2x128x128xf32, #tpu.memory_space<vmem>> -> memref<1x128x128xf32, #tpu.memory_space<vmem>>
      %dma_start3A_411 = tpu.memref_squeeze %dma_start3A_410 : memref<1x128x128xf32, #tpu.memory_space<vmem>> -> memref<128x128xf32, #tpu.memory_space<vmem>>
      %dma_start3A_412 = tpu.memref_slice %arg7[%add3A_407] : memref<5120xi32, #tpu.memory_space<vmem>> -> memref<128xi32, #tpu.memory_space<vmem>>
      %dma_start3A_413 = arith.constant 0 : i32
      %dma_start3A_414 = arith.constant 0 : i32
      %dma_start3A_415 = tpu.memref_slice %arg10[%dma_start3A_413, %dma_start3A_414] : memref<10000x128xf32, #tpu.memory_space<vmem_shared>> -> memref<10000x128xf32, #tpu.memory_space<vmem_shared>>
      tpu.enqueue_indirect_dma source(%dma_start3A_411 : memref<128x128xf32, #tpu.memory_space<vmem>>) target(%dma_start3A_415 : memref<10000x128xf32, #tpu.memory_space<vmem_shared>>) offsets(%dma_start3A_412 : memref<128xi32, #tpu.memory_space<vmem>>) semaphore(%arg14 : memref<!tpu.dma_semaphore, #tpu.memory_space<semaphore_mem>>) {add = true}
      %dma_wait3A_416 = arith.constant 0 : i32
      %dma_wait3A_417 = arith.constant 0 : i32
      %dma_wait3A_418 = tpu.memref_slice %arg8[%scan3A_186, %dma_wait3A_416, %dma_wait3A_417] : memref<2x128x128xf32, #tpu.memory_space<vmem>> -> memref<1x128x128xf32, #tpu.memory_space<vmem>>
      %dma_wait3A_419 = tpu.memref_squeeze %dma_wait3A_418 : memref<1x128x128xf32, #tpu.memory_space<vmem>> -> memref<128x128xf32, #tpu.memory_space<vmem>>
      %dma_wait3A_420 = tpu.memref_slice %arg7[%add3A_407] : memref<5120xi32, #tpu.memory_space<vmem>> -> memref<128xi32, #tpu.memory_space<vmem>>
      %dma_wait3A_421 = arith.constant 0 : i32
      %dma_wait3A_422 = arith.constant 0 : i32
      %dma_wait3A_423 = tpu.memref_slice %arg10[%dma_wait3A_421, %dma_wait3A_422] : memref<10000x128xf32, #tpu.memory_space<vmem_shared>> -> memref<10000x128xf32, #tpu.memory_space<vmem_shared>>
      tpu.wait_indirect_dma semaphore(%arg14 : memref<!tpu.dma_semaphore, #tpu.memory_space<semaphore_mem>>) src(%dma_wait3A_419 : memref<128x128xf32, #tpu.memory_space<vmem>>) dst(%dma_wait3A_423 : memref<10000x128xf32, #tpu.memory_space<vmem_shared>>)
    }
    %scan3A_192 = arith.constant 19 : i32
    %add3A_193 = arith.constant 4864 : i32
    %add3A_194 = arith.addi %rem3A_5, %add3A_193 : i32
    %dma_wait3A_195 = arith.constant 1 : i32
    %dma_wait3A_196 = arith.constant 0 : i32
    %dma_wait3A_197 = arith.constant 0 : i32
    %dma_wait3A_198 = tpu.memref_slice %arg8[%dma_wait3A_195, %dma_wait3A_196, %dma_wait3A_197] : memref<2x128x128xf32, #tpu.memory_space<vmem>> -> memref<1x128x128xf32, #tpu.memory_space<vmem>>
    %dma_wait3A_199 = tpu.memref_squeeze %dma_wait3A_198 : memref<1x128x128xf32, #tpu.memory_space<vmem>> -> memref<128x128xf32, #tpu.memory_space<vmem>>
    %dma_wait3A_200 = tpu.memref_slice %arg6[%add3A_194] : memref<5120xi32, #tpu.memory_space<vmem>> -> memref<128xi32, #tpu.memory_space<vmem>>
    %dma_wait3A_201 = arith.constant 0 : i32
    %dma_wait3A_202 = arith.constant 0 : i32
    %dma_wait3A_203 = tpu.memref_slice %arg2[%dma_wait3A_201, %dma_wait3A_202] : memref<10000x128xf32, #tpu.memory_space<hbm>> -> memref<10000x128xf32, #tpu.memory_space<hbm>>
    tpu.wait_indirect_dma semaphore(%arg12 : memref<!tpu.dma_semaphore, #tpu.memory_space<semaphore_mem>>) src(%dma_wait3A_203 : memref<10000x128xf32, #tpu.memory_space<hbm>>) dst(%dma_wait3A_199 : memref<128x128xf32, #tpu.memory_space<vmem>>)
    %add3A_204 = arith.constant 4864 : i32
    %add3A_205 = arith.addi %rem3A_5, %add3A_204 : i32
    %dma_start3A_206 = arith.constant 1 : i32
    %dma_start3A_207 = arith.constant 0 : i32
    %dma_start3A_208 = arith.constant 0 : i32
    %dma_start3A_209 = tpu.memref_slice %arg8[%dma_start3A_206, %dma_start3A_207, %dma_start3A_208] : memref<2x128x128xf32, #tpu.memory_space<vmem>> -> memref<1x128x128xf32, #tpu.memory_space<vmem>>
    %dma_start3A_210 = tpu.memref_squeeze %dma_start3A_209 : memref<1x128x128xf32, #tpu.memory_space<vmem>> -> memref<128x128xf32, #tpu.memory_space<vmem>>
    %dma_start3A_211 = tpu.memref_slice %arg7[%add3A_205] : memref<5120xi32, #tpu.memory_space<vmem>> -> memref<128xi32, #tpu.memory_space<vmem>>
    %dma_start3A_212 = arith.constant 0 : i32
    %dma_start3A_213 = arith.constant 0 : i32
    %dma_start3A_214 = tpu.memref_slice %arg10[%dma_start3A_212, %dma_start3A_213] : memref<10000x128xf32, #tpu.memory_space<vmem_shared>> -> memref<10000x128xf32, #tpu.memory_space<vmem_shared>>
    tpu.enqueue_indirect_dma source(%dma_start3A_210 : memref<128x128xf32, #tpu.memory_space<vmem>>) target(%dma_start3A_214 : memref<10000x128xf32, #tpu.memory_space<vmem_shared>>) offsets(%dma_start3A_211 : memref<128xi32, #tpu.memory_space<vmem>>) semaphore(%arg15 : memref<!tpu.dma_semaphore, #tpu.memory_space<semaphore_mem>>) {add = true}
    %dma_wait3A_215 = arith.constant 1 : i32
    %dma_wait3A_216 = arith.constant 0 : i32
    %dma_wait3A_217 = arith.constant 0 : i32
    %dma_wait3A_218 = tpu.memref_slice %arg8[%dma_wait3A_215, %dma_wait3A_216, %dma_wait3A_217] : memref<2x128x128xf32, #tpu.memory_space<vmem>> -> memref<1x128x128xf32, #tpu.memory_space<vmem>>
    %dma_wait3A_219 = tpu.memref_squeeze %dma_wait3A_218 : memref<1x128x128xf32, #tpu.memory_space<vmem>> -> memref<128x128xf32, #tpu.memory_space<vmem>>
    %dma_wait3A_220 = tpu.memref_slice %arg7[%add3A_205] : memref<5120xi32, #tpu.memory_space<vmem>> -> memref<128xi32, #tpu.memory_space<vmem>>
    %dma_wait3A_221 = arith.constant 0 : i32
    %dma_wait3A_222 = arith.constant 0 : i32
    %dma_wait3A_223 = tpu.memref_slice %arg10[%dma_wait3A_221, %dma_wait3A_222] : memref<10000x128xf32, #tpu.memory_space<vmem_shared>> -> memref<10000x128xf32, #tpu.memory_space<vmem_shared>>
    tpu.wait_indirect_dma semaphore(%arg15 : memref<!tpu.dma_semaphore, #tpu.memory_space<semaphore_mem>>) src(%dma_wait3A_219 : memref<128x128xf32, #tpu.memory_space<vmem>>) dst(%dma_wait3A_223 : memref<10000x128xf32, #tpu.memory_space<vmem_shared>>)
    %add3A_224 = arith.constant 4992 : i32
    %add3A_225 = arith.addi %mul3A_2, %add3A_224 : i32
    %rem3A_226 = arith.constant 128 : i32
    %rem3A_227 = arith.remsi %add3A_225, %rem3A_226 : i32
    %sub3A_228 = arith.subi %add3A_225, %rem3A_227 : i32
    %multiple_of3A_229 = tpu.assume_multiple %sub3A_228, 128 : i32
    %dma_start3A_230 = arith.constant 0 : i32
    %dma_start3A_231 = tpu.memref_slice %arg3[%dma_start3A_230, %multiple_of3A_229] : memref<2x320000xi32, #tpu.memory_space<hbm>> -> memref<1x5120xi32, #tpu.memory_space<hbm>>
    %dma_start3A_232 = tpu.memref_squeeze %dma_start3A_231 : memref<1x5120xi32, #tpu.memory_space<hbm>> -> memref<5120xi32, #tpu.memory_space<hbm>>
    %dma_start3A_233 = tpu.memref_slice %arg3[%dma_start3A_230, %multiple_of3A_229] : memref<2x320000xi32, #tpu.memory_space<hbm>> -> memref<1x5120xi32, #tpu.memory_space<hbm>>
    %dma_start3A_234 = tpu.memref_squeeze %dma_start3A_233 : memref<1x5120xi32, #tpu.memory_space<hbm>> -> memref<5120xi32, #tpu.memory_space<hbm>>
    tpu.enqueue_dma source(%dma_start3A_234 : memref<5120xi32, #tpu.memory_space<hbm>>) target(%arg6 : memref<5120xi32, #tpu.memory_space<vmem>>) target_semaphore(%arg11 : memref<!tpu.dma_semaphore, #tpu.memory_space<semaphore_mem>>)
    %dma_start3A_235 = arith.constant 1 : i32
    %dma_start3A_236 = tpu.memref_slice %arg3[%dma_start3A_235, %multiple_of3A_229] : memref<2x320000xi32, #tpu.memory_space<hbm>> -> memref<1x5120xi32, #tpu.memory_space<hbm>>
    %dma_start3A_237 = tpu.memref_squeeze %dma_start3A_236 : memref<1x5120xi32, #tpu.memory_space<hbm>> -> memref<5120xi32, #tpu.memory_space<hbm>>
    %dma_start3A_238 = tpu.memref_slice %arg3[%dma_start3A_235, %multiple_of3A_229] : memref<2x320000xi32, #tpu.memory_space<hbm>> -> memref<1x5120xi32, #tpu.memory_space<hbm>>
    %dma_start3A_239 = tpu.memref_squeeze %dma_start3A_238 : memref<1x5120xi32, #tpu.memory_space<hbm>> -> memref<5120xi32, #tpu.memory_space<hbm>>
    tpu.enqueue_dma source(%dma_start3A_239 : memref<5120xi32, #tpu.memory_space<hbm>>) target(%arg7 : memref<5120xi32, #tpu.memory_space<vmem>>) target_semaphore(%arg12 : memref<!tpu.dma_semaphore, #tpu.memory_space<semaphore_mem>>)
    %dma_wait3A_240 = arith.constant 0 : i32
    %dma_wait3A_241 = tpu.memref_slice %arg3[%dma_wait3A_240, %multiple_of3A_229] : memref<2x320000xi32, #tpu.memory_space<hbm>> -> memref<1x5120xi32, #tpu.memory_space<hbm>>
    %dma_wait3A_242 = tpu.memref_squeeze %dma_wait3A_241 : memref<1x5120xi32, #tpu.memory_space<hbm>> -> memref<5120xi32, #tpu.memory_space<hbm>>
    %dma_wait3A_243 = tpu.memref_slice %arg3[%dma_wait3A_240, %multiple_of3A_229] : memref<2x320000xi32, #tpu.memory_space<hbm>> -> memref<1x5120xi32, #tpu.memory_space<hbm>>
    %dma_wait3A_244 = tpu.memref_squeeze %dma_wait3A_243 : memref<1x5120xi32, #tpu.memory_space<hbm>> -> memref<5120xi32, #tpu.memory_space<hbm>>
    tpu.wait_dma2 semaphore(%arg11 : memref<!tpu.dma_semaphore, #tpu.memory_space<semaphore_mem>>) src(%dma_wait3A_244 : memref<5120xi32, #tpu.memory_space<hbm>>) dst(%arg6 : memref<5120xi32, #tpu.memory_space<vmem>>)
    %dma_wait3A_245 = arith.constant 1 : i32
    %dma_wait3A_246 = tpu.memref_slice %arg3[%dma_wait3A_245, %multiple_of3A_229] : memref<2x320000xi32, #tpu.memory_space<hbm>> -> memref<1x5120xi32, #tpu.memory_space<hbm>>
    %dma_wait3A_247 = tpu.memref_squeeze %dma_wait3A_246 : memref<1x5120xi32, #tpu.memory_space<hbm>> -> memref<5120xi32, #tpu.memory_space<hbm>>
    %dma_wait3A_248 = tpu.memref_slice %arg3[%dma_wait3A_245, %multiple_of3A_229] : memref<2x320000xi32, #tpu.memory_space<hbm>> -> memref<1x5120xi32, #tpu.memory_space<hbm>>
    %dma_wait3A_249 = tpu.memref_squeeze %dma_wait3A_248 : memref<1x5120xi32, #tpu.memory_space<hbm>> -> memref<5120xi32, #tpu.memory_space<hbm>>
    tpu.wait_dma2 semaphore(%arg12 : memref<!tpu.dma_semaphore, #tpu.memory_space<semaphore_mem>>) src(%dma_wait3A_249 : memref<5120xi32, #tpu.memory_space<hbm>>) dst(%arg7 : memref<5120xi32, #tpu.memory_space<vmem>>)
    %add3A_250 = arith.constant 4992 : i32
    %add3A_251 = arith.addi %rem3A_227, %add3A_250 : i32
    %dma_start3A_252 = tpu.memref_slice %arg6[%add3A_251] : memref<5120xi32, #tpu.memory_space<vmem>> -> memref<16xi32, #tpu.memory_space<vmem>>
    %dma_start3A_253 = arith.constant 0 : i32
    %dma_start3A_254 = arith.constant 0 : i32
    %dma_start3A_255 = tpu.memref_slice %arg2[%dma_start3A_253, %dma_start3A_254] : memref<10000x128xf32, #tpu.memory_space<hbm>> -> memref<10000x128xf32, #tpu.memory_space<hbm>>
    tpu.enqueue_indirect_dma source(%dma_start3A_255 : memref<10000x128xf32, #tpu.memory_space<hbm>>) target(%arg9 : memref<16x128xf32, #tpu.memory_space<vmem>>) offsets(%dma_start3A_252 : memref<16xi32, #tpu.memory_space<vmem>>) semaphore(%arg13 : memref<!tpu.dma_semaphore, #tpu.memory_space<semaphore_mem>>)
    %add3A_256 = arith.constant 0 : i32
    %add3A_257 = arith.addi %rem3A_227, %add3A_256 : i32
    %dma_start3A_258 = arith.constant 1 : i32
    %dma_start3A_259 = arith.constant 0 : i32
    %dma_start3A_260 = arith.constant 0 : i32
    %dma_start3A_261 = tpu.memref_slice %arg8[%dma_start3A_258, %dma_start3A_259, %dma_start3A_260] : memref<2x128x128xf32, #tpu.memory_space<vmem>> -> memref<1x128x128xf32, #tpu.memory_space<vmem>>
    %dma_start3A_262 = tpu.memref_squeeze %dma_start3A_261 : memref<1x128x128xf32, #tpu.memory_space<vmem>> -> memref<128x128xf32, #tpu.memory_space<vmem>>
    %dma_start3A_263 = tpu.memref_slice %arg6[%add3A_257] : memref<5120xi32, #tpu.memory_space<vmem>> -> memref<128xi32, #tpu.memory_space<vmem>>
    %dma_start3A_264 = arith.constant 0 : i32
    %dma_start3A_265 = arith.constant 0 : i32
    %dma_start3A_266 = tpu.memref_slice %arg2[%dma_start3A_264, %dma_start3A_265] : memref<10000x128xf32, #tpu.memory_space<hbm>> -> memref<10000x128xf32, #tpu.memory_space<hbm>>
    tpu.enqueue_indirect_dma source(%dma_start3A_266 : memref<10000x128xf32, #tpu.memory_space<hbm>>) target(%dma_start3A_262 : memref<128x128xf32, #tpu.memory_space<vmem>>) offsets(%dma_start3A_263 : memref<128xi32, #tpu.memory_space<vmem>>) semaphore(%arg12 : memref<!tpu.dma_semaphore, #tpu.memory_space<semaphore_mem>>)
    %scan3A_267 = arith.constant 0 : i32
    %scan3A_268 = arith.constant 0 : i32
    %scan3A_269 = arith.constant 1 : i32
    %scan3A_270 = arith.constant 0 : i32
    %scan3A_271 = arith.constant 19 : i32
    %scan3A_272 = arith.addi %scan3A_270, %scan3A_271 : i32
    %scan3A_273 = arith.constant 1 : i32
    scf.for %scan3A_335 = %scan3A_270 to %scan3A_272 step %scan3A_273  : i32 {
      %mul3A_336 = arith.constant 2 : i32
      %mul3A_337 = arith.muli %mul3A_336, %scan3A_335 : i32
      %add3A_338 = arith.constant 1 : i32
      %add3A_339 = arith.addi %mul3A_337, %add3A_338 : i32
      %mul3A_340 = arith.constant 128 : i32
      %mul3A_341 = arith.muli %add3A_339, %mul3A_340 : i32
      %add3A_342 = arith.addi %rem3A_227, %mul3A_341 : i32
      %dma_start3A_343 = arith.constant 0 : i32
      %dma_start3A_344 = arith.constant 0 : i32
      %dma_start3A_345 = tpu.memref_slice %arg8[%scan3A_268, %dma_start3A_343, %dma_start3A_344] : memref<2x128x128xf32, #tpu.memory_space<vmem>> -> memref<1x128x128xf32, #tpu.memory_space<vmem>>
      %dma_start3A_346 = tpu.memref_squeeze %dma_start3A_345 : memref<1x128x128xf32, #tpu.memory_space<vmem>> -> memref<128x128xf32, #tpu.memory_space<vmem>>
      %dma_start3A_347 = tpu.memref_slice %arg6[%add3A_342] : memref<5120xi32, #tpu.memory_space<vmem>> -> memref<128xi32, #tpu.memory_space<vmem>>
      %dma_start3A_348 = arith.constant 0 : i32
      %dma_start3A_349 = arith.constant 0 : i32
      %dma_start3A_350 = tpu.memref_slice %arg2[%dma_start3A_348, %dma_start3A_349] : memref<10000x128xf32, #tpu.memory_space<hbm>> -> memref<10000x128xf32, #tpu.memory_space<hbm>>
      tpu.enqueue_indirect_dma source(%dma_start3A_350 : memref<10000x128xf32, #tpu.memory_space<hbm>>) target(%dma_start3A_346 : memref<128x128xf32, #tpu.memory_space<vmem>>) offsets(%dma_start3A_347 : memref<128xi32, #tpu.memory_space<vmem>>) semaphore(%arg11 : memref<!tpu.dma_semaphore, #tpu.memory_space<semaphore_mem>>)
      %mul3A_351 = arith.constant 128 : i32
      %mul3A_352 = arith.muli %mul3A_337, %mul3A_351 : i32
      %add3A_353 = arith.addi %rem3A_227, %mul3A_352 : i32
      %dma_wait3A_354 = arith.constant 0 : i32
      %dma_wait3A_355 = arith.constant 0 : i32
      %dma_wait3A_356 = tpu.memref_slice %arg8[%scan3A_269, %dma_wait3A_354, %dma_wait3A_355] : memref<2x128x128xf32, #tpu.memory_space<vmem>> -> memref<1x128x128xf32, #tpu.memory_space<vmem>>
      %dma_wait3A_357 = tpu.memref_squeeze %dma_wait3A_356 : memref<1x128x128xf32, #tpu.memory_space<vmem>> -> memref<128x128xf32, #tpu.memory_space<vmem>>
      %dma_wait3A_358 = tpu.memref_slice %arg6[%add3A_353] : memref<5120xi32, #tpu.memory_space<vmem>> -> memref<128xi32, #tpu.memory_space<vmem>>
      %dma_wait3A_359 = arith.constant 0 : i32
      %dma_wait3A_360 = arith.constant 0 : i32
      %dma_wait3A_361 = tpu.memref_slice %arg2[%dma_wait3A_359, %dma_wait3A_360] : memref<10000x128xf32, #tpu.memory_space<hbm>> -> memref<10000x128xf32, #tpu.memory_space<hbm>>
      tpu.wait_indirect_dma semaphore(%arg12 : memref<!tpu.dma_semaphore, #tpu.memory_space<semaphore_mem>>) src(%dma_wait3A_361 : memref<10000x128xf32, #tpu.memory_space<hbm>>) dst(%dma_wait3A_357 : memref<128x128xf32, #tpu.memory_space<vmem>>)
      %mul3A_362 = arith.constant 128 : i32
      %mul3A_363 = arith.muli %mul3A_337, %mul3A_362 : i32
      %add3A_364 = arith.addi %rem3A_227, %mul3A_363 : i32
      %dma_start3A_365 = arith.constant 0 : i32
      %dma_start3A_366 = arith.constant 0 : i32
      %dma_start3A_367 = tpu.memref_slice %arg8[%scan3A_269, %dma_start3A_365, %dma_start3A_366] : memref<2x128x128xf32, #tpu.memory_space<vmem>> -> memref<1x128x128xf32, #tpu.memory_space<vmem>>
      %dma_start3A_368 = tpu.memref_squeeze %dma_start3A_367 : memref<1x128x128xf32, #tpu.memory_space<vmem>> -> memref<128x128xf32, #tpu.memory_space<vmem>>
      %dma_start3A_369 = tpu.memref_slice %arg7[%add3A_364] : memref<5120xi32, #tpu.memory_space<vmem>> -> memref<128xi32, #tpu.memory_space<vmem>>
      %dma_start3A_370 = arith.constant 0 : i32
      %dma_start3A_371 = arith.constant 0 : i32
      %dma_start3A_372 = tpu.memref_slice %arg10[%dma_start3A_370, %dma_start3A_371] : memref<10000x128xf32, #tpu.memory_space<vmem_shared>> -> memref<10000x128xf32, #tpu.memory_space<vmem_shared>>
      tpu.enqueue_indirect_dma source(%dma_start3A_368 : memref<128x128xf32, #tpu.memory_space<vmem>>) target(%dma_start3A_372 : memref<10000x128xf32, #tpu.memory_space<vmem_shared>>) offsets(%dma_start3A_369 : memref<128xi32, #tpu.memory_space<vmem>>) semaphore(%arg15 : memref<!tpu.dma_semaphore, #tpu.memory_space<semaphore_mem>>) {add = true}
      %dma_wait3A_373 = arith.constant 0 : i32
      %dma_wait3A_374 = arith.constant 0 : i32
      %dma_wait3A_375 = tpu.memref_slice %arg8[%scan3A_269, %dma_wait3A_373, %dma_wait3A_374] : memref<2x128x128xf32, #tpu.memory_space<vmem>> -> memref<1x128x128xf32, #tpu.memory_space<vmem>>
      %dma_wait3A_376 = tpu.memref_squeeze %dma_wait3A_375 : memref<1x128x128xf32, #tpu.memory_space<vmem>> -> memref<128x128xf32, #tpu.memory_space<vmem>>
      %dma_wait3A_377 = tpu.memref_slice %arg7[%add3A_364] : memref<5120xi32, #tpu.memory_space<vmem>> -> memref<128xi32, #tpu.memory_space<vmem>>
      %dma_wait3A_378 = arith.constant 0 : i32
      %dma_wait3A_379 = arith.constant 0 : i32
      %dma_wait3A_380 = tpu.memref_slice %arg10[%dma_wait3A_378, %dma_wait3A_379] : memref<10000x128xf32, #tpu.memory_space<vmem_shared>> -> memref<10000x128xf32, #tpu.memory_space<vmem_shared>>
      tpu.wait_indirect_dma semaphore(%arg15 : memref<!tpu.dma_semaphore, #tpu.memory_space<semaphore_mem>>) src(%dma_wait3A_376 : memref<128x128xf32, #tpu.memory_space<vmem>>) dst(%dma_wait3A_380 : memref<10000x128xf32, #tpu.memory_space<vmem_shared>>)
      %add3A_381 = arith.constant 2 : i32
      %add3A_382 = arith.addi %mul3A_337, %add3A_381 : i32
      %mul3A_383 = arith.constant 128 : i32
      %mul3A_384 = arith.muli %add3A_382, %mul3A_383 : i32
      %add3A_385 = arith.addi %rem3A_227, %mul3A_384 : i32
      %dma_start3A_386 = arith.constant 0 : i32
      %dma_start3A_387 = arith.constant 0 : i32
      %dma_start3A_388 = tpu.memref_slice %arg8[%scan3A_269, %dma_start3A_386, %dma_start3A_387] : memref<2x128x128xf32, #tpu.memory_space<vmem>> -> memref<1x128x128xf32, #tpu.memory_space<vmem>>
      %dma_start3A_389 = tpu.memref_squeeze %dma_start3A_388 : memref<1x128x128xf32, #tpu.memory_space<vmem>> -> memref<128x128xf32, #tpu.memory_space<vmem>>
      %dma_start3A_390 = tpu.memref_slice %arg6[%add3A_385] : memref<5120xi32, #tpu.memory_space<vmem>> -> memref<128xi32, #tpu.memory_space<vmem>>
      %dma_start3A_391 = arith.constant 0 : i32
      %dma_start3A_392 = arith.constant 0 : i32
      %dma_start3A_393 = tpu.memref_slice %arg2[%dma_start3A_391, %dma_start3A_392] : memref<10000x128xf32, #tpu.memory_space<hbm>> -> memref<10000x128xf32, #tpu.memory_space<hbm>>
      tpu.enqueue_indirect_dma source(%dma_start3A_393 : memref<10000x128xf32, #tpu.memory_space<hbm>>) target(%dma_start3A_389 : memref<128x128xf32, #tpu.memory_space<vmem>>) offsets(%dma_start3A_390 : memref<128xi32, #tpu.memory_space<vmem>>) semaphore(%arg12 : memref<!tpu.dma_semaphore, #tpu.memory_space<semaphore_mem>>)
      %mul3A_394 = arith.constant 128 : i32
      %mul3A_395 = arith.muli %add3A_339, %mul3A_394 : i32
      %add3A_396 = arith.addi %rem3A_227, %mul3A_395 : i32
      %dma_wait3A_397 = arith.constant 0 : i32
      %dma_wait3A_398 = arith.constant 0 : i32
      %dma_wait3A_399 = tpu.memref_slice %arg8[%scan3A_268, %dma_wait3A_397, %dma_wait3A_398] : memref<2x128x128xf32, #tpu.memory_space<vmem>> -> memref<1x128x128xf32, #tpu.memory_space<vmem>>
      %dma_wait3A_400 = tpu.memref_squeeze %dma_wait3A_399 : memref<1x128x128xf32, #tpu.memory_space<vmem>> -> memref<128x128xf32, #tpu.memory_space<vmem>>
      %dma_wait3A_401 = tpu.memref_slice %arg6[%add3A_396] : memref<5120xi32, #tpu.memory_space<vmem>> -> memref<128xi32, #tpu.memory_space<vmem>>
      %dma_wait3A_402 = arith.constant 0 : i32
      %dma_wait3A_403 = arith.constant 0 : i32
      %dma_wait3A_404 = tpu.memref_slice %arg2[%dma_wait3A_402, %dma_wait3A_403] : memref<10000x128xf32, #tpu.memory_space<hbm>> -> memref<10000x128xf32, #tpu.memory_space<hbm>>
      tpu.wait_indirect_dma semaphore(%arg11 : memref<!tpu.dma_semaphore, #tpu.memory_space<semaphore_mem>>) src(%dma_wait3A_404 : memref<10000x128xf32, #tpu.memory_space<hbm>>) dst(%dma_wait3A_400 : memref<128x128xf32, #tpu.memory_space<vmem>>)
      %mul3A_405 = arith.constant 128 : i32
      %mul3A_406 = arith.muli %add3A_339, %mul3A_405 : i32
      %add3A_407 = arith.addi %rem3A_227, %mul3A_406 : i32
      %dma_start3A_408 = arith.constant 0 : i32
      %dma_start3A_409 = arith.constant 0 : i32
      %dma_start3A_410 = tpu.memref_slice %arg8[%scan3A_268, %dma_start3A_408, %dma_start3A_409] : memref<2x128x128xf32, #tpu.memory_space<vmem>> -> memref<1x128x128xf32, #tpu.memory_space<vmem>>
      %dma_start3A_411 = tpu.memref_squeeze %dma_start3A_410 : memref<1x128x128xf32, #tpu.memory_space<vmem>> -> memref<128x128xf32, #tpu.memory_space<vmem>>
      %dma_start3A_412 = tpu.memref_slice %arg7[%add3A_407] : memref<5120xi32, #tpu.memory_space<vmem>> -> memref<128xi32, #tpu.memory_space<vmem>>
      %dma_start3A_413 = arith.constant 0 : i32
      %dma_start3A_414 = arith.constant 0 : i32
      %dma_start3A_415 = tpu.memref_slice %arg10[%dma_start3A_413, %dma_start3A_414] : memref<10000x128xf32, #tpu.memory_space<vmem_shared>> -> memref<10000x128xf32, #tpu.memory_space<vmem_shared>>
      tpu.enqueue_indirect_dma source(%dma_start3A_411 : memref<128x128xf32, #tpu.memory_space<vmem>>) target(%dma_start3A_415 : memref<10000x128xf32, #tpu.memory_space<vmem_shared>>) offsets(%dma_start3A_412 : memref<128xi32, #tpu.memory_space<vmem>>) semaphore(%arg14 : memref<!tpu.dma_semaphore, #tpu.memory_space<semaphore_mem>>) {add = true}
      %dma_wait3A_416 = arith.constant 0 : i32
      %dma_wait3A_417 = arith.constant 0 : i32
      %dma_wait3A_418 = tpu.memref_slice %arg8[%scan3A_268, %dma_wait3A_416, %dma_wait3A_417] : memref<2x128x128xf32, #tpu.memory_space<vmem>> -> memref<1x128x128xf32, #tpu.memory_space<vmem>>
      %dma_wait3A_419 = tpu.memref_squeeze %dma_wait3A_418 : memref<1x128x128xf32, #tpu.memory_space<vmem>> -> memref<128x128xf32, #tpu.memory_space<vmem>>
      %dma_wait3A_420 = tpu.memref_slice %arg7[%add3A_407] : memref<5120xi32, #tpu.memory_space<vmem>> -> memref<128xi32, #tpu.memory_space<vmem>>
      %dma_wait3A_421 = arith.constant 0 : i32
      %dma_wait3A_422 = arith.constant 0 : i32
      %dma_wait3A_423 = tpu.memref_slice %arg10[%dma_wait3A_421, %dma_wait3A_422] : memref<10000x128xf32, #tpu.memory_space<vmem_shared>> -> memref<10000x128xf32, #tpu.memory_space<vmem_shared>>
      tpu.wait_indirect_dma semaphore(%arg14 : memref<!tpu.dma_semaphore, #tpu.memory_space<semaphore_mem>>) src(%dma_wait3A_419 : memref<128x128xf32, #tpu.memory_space<vmem>>) dst(%dma_wait3A_423 : memref<10000x128xf32, #tpu.memory_space<vmem_shared>>)
    }
    %scan3A_274 = arith.constant 19 : i32
    %add3A_275 = arith.constant 4864 : i32
    %add3A_276 = arith.addi %rem3A_227, %add3A_275 : i32
    %dma_wait3A_277 = arith.constant 1 : i32
    %dma_wait3A_278 = arith.constant 0 : i32
    %dma_wait3A_279 = arith.constant 0 : i32
    %dma_wait3A_280 = tpu.memref_slice %arg8[%dma_wait3A_277, %dma_wait3A_278, %dma_wait3A_279] : memref<2x128x128xf32, #tpu.memory_space<vmem>> -> memref<1x128x128xf32, #tpu.memory_space<vmem>>
    %dma_wait3A_281 = tpu.memref_squeeze %dma_wait3A_280 : memref<1x128x128xf32, #tpu.memory_space<vmem>> -> memref<128x128xf32, #tpu.memory_space<vmem>>
    %dma_wait3A_282 = tpu.memref_slice %arg6[%add3A_276] : memref<5120xi32, #tpu.memory_space<vmem>> -> memref<128xi32, #tpu.memory_space<vmem>>
    %dma_wait3A_283 = arith.constant 0 : i32
    %dma_wait3A_284 = arith.constant 0 : i32
    %dma_wait3A_285 = tpu.memref_slice %arg2[%dma_wait3A_283, %dma_wait3A_284] : memref<10000x128xf32, #tpu.memory_space<hbm>> -> memref<10000x128xf32, #tpu.memory_space<hbm>>
    tpu.wait_indirect_dma semaphore(%arg12 : memref<!tpu.dma_semaphore, #tpu.memory_space<semaphore_mem>>) src(%dma_wait3A_285 : memref<10000x128xf32, #tpu.memory_space<hbm>>) dst(%dma_wait3A_281 : memref<128x128xf32, #tpu.memory_space<vmem>>)
    %add3A_286 = arith.constant 4864 : i32
    %add3A_287 = arith.addi %rem3A_227, %add3A_286 : i32
    %dma_start3A_288 = arith.constant 1 : i32
    %dma_start3A_289 = arith.constant 0 : i32
    %dma_start3A_290 = arith.constant 0 : i32
    %dma_start3A_291 = tpu.memref_slice %arg8[%dma_start3A_288, %dma_start3A_289, %dma_start3A_290] : memref<2x128x128xf32, #tpu.memory_space<vmem>> -> memref<1x128x128xf32, #tpu.memory_space<vmem>>
    %dma_start3A_292 = tpu.memref_squeeze %dma_start3A_291 : memref<1x128x128xf32, #tpu.memory_space<vmem>> -> memref<128x128xf32, #tpu.memory_space<vmem>>
    %dma_start3A_293 = tpu.memref_slice %arg7[%add3A_287] : memref<5120xi32, #tpu.memory_space<vmem>> -> memref<128xi32, #tpu.memory_space<vmem>>
    %dma_start3A_294 = arith.constant 0 : i32
    %dma_start3A_295 = arith.constant 0 : i32
    %dma_start3A_296 = tpu.memref_slice %arg10[%dma_start3A_294, %dma_start3A_295] : memref<10000x128xf32, #tpu.memory_space<vmem_shared>> -> memref<10000x128xf32, #tpu.memory_space<vmem_shared>>
    tpu.enqueue_indirect_dma source(%dma_start3A_292 : memref<128x128xf32, #tpu.memory_space<vmem>>) target(%dma_start3A_296 : memref<10000x128xf32, #tpu.memory_space<vmem_shared>>) offsets(%dma_start3A_293 : memref<128xi32, #tpu.memory_space<vmem>>) semaphore(%arg15 : memref<!tpu.dma_semaphore, #tpu.memory_space<semaphore_mem>>) {add = true}
    %dma_wait3A_297 = arith.constant 1 : i32
    %dma_wait3A_298 = arith.constant 0 : i32
    %dma_wait3A_299 = arith.constant 0 : i32
    %dma_wait3A_300 = tpu.memref_slice %arg8[%dma_wait3A_297, %dma_wait3A_298, %dma_wait3A_299] : memref<2x128x128xf32, #tpu.memory_space<vmem>> -> memref<1x128x128xf32, #tpu.memory_space<vmem>>
    %dma_wait3A_301 = tpu.memref_squeeze %dma_wait3A_300 : memref<1x128x128xf32, #tpu.memory_space<vmem>> -> memref<128x128xf32, #tpu.memory_space<vmem>>
    %dma_wait3A_302 = tpu.memref_slice %arg7[%add3A_287] : memref<5120xi32, #tpu.memory_space<vmem>> -> memref<128xi32, #tpu.memory_space<vmem>>
    %dma_wait3A_303 = arith.constant 0 : i32
    %dma_wait3A_304 = arith.constant 0 : i32
    %dma_wait3A_305 = tpu.memref_slice %arg10[%dma_wait3A_303, %dma_wait3A_304] : memref<10000x128xf32, #tpu.memory_space<vmem_shared>> -> memref<10000x128xf32, #tpu.memory_space<vmem_shared>>
    tpu.wait_indirect_dma semaphore(%arg15 : memref<!tpu.dma_semaphore, #tpu.memory_space<semaphore_mem>>) src(%dma_wait3A_301 : memref<128x128xf32, #tpu.memory_space<vmem>>) dst(%dma_wait3A_305 : memref<10000x128xf32, #tpu.memory_space<vmem_shared>>)
    %add3A_306 = arith.constant 4992 : i32
    %add3A_307 = arith.addi %rem3A_227, %add3A_306 : i32
    %add3A_308 = arith.constant 4992 : i32
    %add3A_309 = arith.addi %rem3A_227, %add3A_308 : i32
    %dma_wait3A_310 = tpu.memref_slice %arg6[%add3A_309] : memref<5120xi32, #tpu.memory_space<vmem>> -> memref<16xi32, #tpu.memory_space<vmem>>
    %dma_wait3A_311 = arith.constant 0 : i32
    %dma_wait3A_312 = arith.constant 0 : i32
    %dma_wait3A_313 = tpu.memref_slice %arg2[%dma_wait3A_311, %dma_wait3A_312] : memref<10000x128xf32, #tpu.memory_space<hbm>> -> memref<10000x128xf32, #tpu.memory_space<hbm>>
    tpu.wait_indirect_dma semaphore(%arg13 : memref<!tpu.dma_semaphore, #tpu.memory_space<semaphore_mem>>) src(%dma_wait3A_313 : memref<10000x128xf32, #tpu.memory_space<hbm>>) dst(%arg9 : memref<16x128xf32, #tpu.memory_space<vmem>>)
    %dma_start3A_314 = tpu.memref_slice %arg7[%add3A_307] : memref<5120xi32, #tpu.memory_space<vmem>> -> memref<16xi32, #tpu.memory_space<vmem>>
    %dma_start3A_315 = arith.constant 0 : i32
    %dma_start3A_316 = arith.constant 0 : i32
    %dma_start3A_317 = tpu.memref_slice %arg10[%dma_start3A_315, %dma_start3A_316] : memref<10000x128xf32, #tpu.memory_space<vmem_shared>> -> memref<10000x128xf32, #tpu.memory_space<vmem_shared>>
    tpu.enqueue_indirect_dma source(%arg9 : memref<16x128xf32, #tpu.memory_space<vmem>>) target(%dma_start3A_317 : memref<10000x128xf32, #tpu.memory_space<vmem_shared>>) offsets(%dma_start3A_314 : memref<16xi32, #tpu.memory_space<vmem>>) semaphore(%arg15 : memref<!tpu.dma_semaphore, #tpu.memory_space<semaphore_mem>>) {add = true}
    %dma_wait3A_318 = tpu.memref_slice %arg7[%add3A_307] : memref<5120xi32, #tpu.memory_space<vmem>> -> memref<16xi32, #tpu.memory_space<vmem>>
    %dma_wait3A_319 = arith.constant 0 : i32
    %dma_wait3A_320 = arith.constant 0 : i32
    %dma_wait3A_321 = tpu.memref_slice %arg10[%dma_wait3A_319, %dma_wait3A_320] : memref<10000x128xf32, #tpu.memory_space<vmem_shared>> -> memref<10000x128xf32, #tpu.memory_space<vmem_shared>>
    tpu.wait_indirect_dma semaphore(%arg15 : memref<!tpu.dma_semaphore, #tpu.memory_space<semaphore_mem>>) src(%arg9 : memref<16x128xf32, #tpu.memory_space<vmem>>) dst(%dma_wait3A_321 : memref<10000x128xf32, #tpu.memory_space<vmem_shared>>)
    %barrier3A_322 = arith.constant 0 : index
    tpu.barrier barrier_id(%barrier3A_322)
    %mul3A_323 = arith.constant 624 : i32
    %mul3A_324 = arith.muli %arg1, %mul3A_323 : i32
    %eq3A_325 = arith.constant 0 : i32
    %eq3A_326 = arith.cmpi eq, %arg0, %eq3A_325 : i32
    %convert_element_type3A_327 = arith.extui %eq3A_326 : i1 to i32
    %cond3A_328 = arith.constant 0 : i32
    %cond3A_329 = arith.cmpi ne, %convert_element_type3A_327, %cond3A_328 : i32
    scf.if %cond3A_329 {
      "tpu.region"() ({
        %run_scoped3A = tpu.sem_alloc : memref<!tpu.dma_semaphore, #tpu.memory_space<semaphore_mem>>
        %dma_start3A_340 = arith.constant 0 : i32
        %dma_start3A_341 = tpu.memref_slice %arg4[%mul3A_324, %dma_start3A_340] : memref<10000x128xf32, #tpu.memory_space<hbm>> -> memref<624x128xf32, #tpu.memory_space<hbm>>
        %dma_start3A_342 = arith.constant 0 : i32
        %dma_start3A_343 = tpu.memref_slice %arg10[%mul3A_324, %dma_start3A_342] : memref<10000x128xf32, #tpu.memory_space<vmem_shared>> -> memref<624x128xf32, #tpu.memory_space<vmem_shared>>
        tpu.enqueue_dma source(%dma_start3A_343 : memref<624x128xf32, #tpu.memory_space<vmem_shared>>) target(%dma_start3A_341 : memref<624x128xf32, #tpu.memory_space<hbm>>) target_semaphore(%run_scoped3A : memref<!tpu.dma_semaphore, #tpu.memory_space<semaphore_mem>>)
        %dma_wait3A_344 = arith.constant 0 : i32
        %dma_wait3A_345 = tpu.memref_slice %arg4[%mul3A_324, %dma_wait3A_344] : memref<10000x128xf32, #tpu.memory_space<hbm>> -> memref<624x128xf32, #tpu.memory_space<hbm>>
        %dma_wait3A_346 = arith.constant 0 : i32
        %dma_wait3A_347 = tpu.memref_slice %arg10[%mul3A_324, %dma_wait3A_346] : memref<10000x128xf32, #tpu.memory_space<vmem_shared>> -> memref<624x128xf32, #tpu.memory_space<vmem_shared>>
        tpu.wait_dma2 semaphore(%run_scoped3A : memref<!tpu.dma_semaphore, #tpu.memory_space<semaphore_mem>>) src(%dma_wait3A_347 : memref<624x128xf32, #tpu.memory_space<vmem_shared>>) dst(%dma_wait3A_345 : memref<624x128xf32, #tpu.memory_space<hbm>>)
        tpu.yield
      }) : () -> ()
      %eq3A_335 = arith.constant 15 : i32
      %eq3A_336 = arith.cmpi eq, %arg1, %eq3A_335 : i32
      %convert_element_type3A_337 = arith.extui %eq3A_336 : i1 to i32
      %cond3A_338 = arith.constant 0 : i32
      %cond3A_339 = arith.cmpi ne, %convert_element_type3A_337, %cond3A_338 : i32
      scf.if %cond3A_339 {
        "tpu.region"() ({
          %run_scoped3A = tpu.sem_alloc : memref<!tpu.dma_semaphore, #tpu.memory_space<semaphore_mem>>
          %dma_start3A_340 = arith.constant 9984 : i32
          %dma_start3A_341 = arith.constant 0 : i32
          %dma_start3A_342 = tpu.memref_slice %arg4[%dma_start3A_340, %dma_start3A_341] : memref<10000x128xf32, #tpu.memory_space<hbm>> -> memref<16x128xf32, #tpu.memory_space<hbm>>
          %dma_start3A_343 = arith.constant 9984 : i32
          %dma_start3A_344 = arith.constant 0 : i32
          %dma_start3A_345 = tpu.memref_slice %arg10[%dma_start3A_343, %dma_start3A_344] : memref<10000x128xf32, #tpu.memory_space<vmem_shared>> -> memref<16x128xf32, #tpu.memory_space<vmem_shared>>
          tpu.enqueue_dma source(%dma_start3A_345 : memref<16x128xf32, #tpu.memory_space<vmem_shared>>) target(%dma_start3A_342 : memref<16x128xf32, #tpu.memory_space<hbm>>) target_semaphore(%run_scoped3A : memref<!tpu.dma_semaphore, #tpu.memory_space<semaphore_mem>>)
          %dma_wait3A_346 = arith.constant 9984 : i32
          %dma_wait3A_347 = arith.constant 0 : i32
          %dma_wait3A_348 = tpu.memref_slice %arg4[%dma_wait3A_346, %dma_wait3A_347] : memref<10000x128xf32, #tpu.memory_space<hbm>> -> memref<16x128xf32, #tpu.memory_space<hbm>>
          %dma_wait3A_349 = arith.constant 9984 : i32
          %dma_wait3A_350 = arith.constant 0 : i32
          %dma_wait3A_351 = tpu.memref_slice %arg10[%dma_wait3A_349, %dma_wait3A_350] : memref<10000x128xf32, #tpu.memory_space<vmem_shared>> -> memref<16x128xf32, #tpu.memory_space<vmem_shared>>
          tpu.wait_dma2 semaphore(%run_scoped3A : memref<!tpu.dma_semaphore, #tpu.memory_space<semaphore_mem>>) src(%dma_wait3A_351 : memref<16x128xf32, #tpu.memory_space<vmem_shared>>) dst(%dma_wait3A_348 : memref<16x128xf32, #tpu.memory_space<hbm>>)
          tpu.yield
        }) : () -> ()
      } else {
      }
    } else {
    }
    %eq3A_330 = arith.constant 1 : i32
    %eq3A_331 = arith.cmpi eq, %arg0, %eq3A_330 : i32
    %convert_element_type3A_332 = arith.extui %eq3A_331 : i1 to i32
    %cond3A_333 = arith.constant 0 : i32
    %cond3A_334 = arith.cmpi ne, %convert_element_type3A_332, %cond3A_333 : i32
    scf.if %cond3A_334 {
      "tpu.region"() ({
        %run_scoped3A = tpu.sem_alloc : memref<!tpu.dma_semaphore, #tpu.memory_space<semaphore_mem>>
        %dma_start3A_340 = arith.constant 0 : i32
        %dma_start3A_341 = tpu.memref_slice %arg5[%mul3A_324, %dma_start3A_340] : memref<10000x128xf32, #tpu.memory_space<hbm>> -> memref<624x128xf32, #tpu.memory_space<hbm>>
        %dma_start3A_342 = arith.constant 0 : i32
        %dma_start3A_343 = tpu.memref_slice %arg10[%mul3A_324, %dma_start3A_342] : memref<10000x128xf32, #tpu.memory_space<vmem_shared>> -> memref<624x128xf32, #tpu.memory_space<vmem_shared>>
        tpu.enqueue_dma source(%dma_start3A_343 : memref<624x128xf32, #tpu.memory_space<vmem_shared>>) target(%dma_start3A_341 : memref<624x128xf32, #tpu.memory_space<hbm>>) target_semaphore(%run_scoped3A : memref<!tpu.dma_semaphore, #tpu.memory_space<semaphore_mem>>)
        %dma_wait3A_344 = arith.constant 0 : i32
        %dma_wait3A_345 = tpu.memref_slice %arg5[%mul3A_324, %dma_wait3A_344] : memref<10000x128xf32, #tpu.memory_space<hbm>> -> memref<624x128xf32, #tpu.memory_space<hbm>>
        %dma_wait3A_346 = arith.constant 0 : i32
        %dma_wait3A_347 = tpu.memref_slice %arg10[%mul3A_324, %dma_wait3A_346] : memref<10000x128xf32, #tpu.memory_space<vmem_shared>> -> memref<624x128xf32, #tpu.memory_space<vmem_shared>>
        tpu.wait_dma2 semaphore(%run_scoped3A : memref<!tpu.dma_semaphore, #tpu.memory_space<semaphore_mem>>) src(%dma_wait3A_347 : memref<624x128xf32, #tpu.memory_space<vmem_shared>>) dst(%dma_wait3A_345 : memref<624x128xf32, #tpu.memory_space<hbm>>)
        tpu.yield
      }) : () -> ()
      %eq3A_335 = arith.constant 15 : i32
      %eq3A_336 = arith.cmpi eq, %arg1, %eq3A_335 : i32
      %convert_element_type3A_337 = arith.extui %eq3A_336 : i1 to i32
      %cond3A_338 = arith.constant 0 : i32
      %cond3A_339 = arith.cmpi ne, %convert_element_type3A_337, %cond3A_338 : i32
      scf.if %cond3A_339 {
        "tpu.region"() ({
          %run_scoped3A = tpu.sem_alloc : memref<!tpu.dma_semaphore, #tpu.memory_space<semaphore_mem>>
          %dma_start3A_340 = arith.constant 9984 : i32
          %dma_start3A_341 = arith.constant 0 : i32
          %dma_start3A_342 = tpu.memref_slice %arg5[%dma_start3A_340, %dma_start3A_341] : memref<10000x128xf32, #tpu.memory_space<hbm>> -> memref<16x128xf32, #tpu.memory_space<hbm>>
          %dma_start3A_343 = arith.constant 9984 : i32
          %dma_start3A_344 = arith.constant 0 : i32
          %dma_start3A_345 = tpu.memref_slice %arg10[%dma_start3A_343, %dma_start3A_344] : memref<10000x128xf32, #tpu.memory_space<vmem_shared>> -> memref<16x128xf32, #tpu.memory_space<vmem_shared>>
          tpu.enqueue_dma source(%dma_start3A_345 : memref<16x128xf32, #tpu.memory_space<vmem_shared>>) target(%dma_start3A_342 : memref<16x128xf32, #tpu.memory_space<hbm>>) target_semaphore(%run_scoped3A : memref<!tpu.dma_semaphore, #tpu.memory_space<semaphore_mem>>)
          %dma_wait3A_346 = arith.constant 9984 : i32
          %dma_wait3A_347 = arith.constant 0 : i32
          %dma_wait3A_348 = tpu.memref_slice %arg5[%dma_wait3A_346, %dma_wait3A_347] : memref<10000x128xf32, #tpu.memory_space<hbm>> -> memref<16x128xf32, #tpu.memory_space<hbm>>
          %dma_wait3A_349 = arith.constant 9984 : i32
          %dma_wait3A_350 = arith.constant 0 : i32
          %dma_wait3A_351 = tpu.memref_slice %arg10[%dma_wait3A_349, %dma_wait3A_350] : memref<10000x128xf32, #tpu.memory_space<vmem_shared>> -> memref<16x128xf32, #tpu.memory_space<vmem_shared>>
          tpu.wait_dma2 semaphore(%run_scoped3A : memref<!tpu.dma_semaphore, #tpu.memory_space<semaphore_mem>>) src(%dma_wait3A_351 : memref<16x128xf32, #tpu.memory_space<vmem_shared>>) dst(%dma_wait3A_348 : memref<16x128xf32, #tpu.memory_space<hbm>>)
          tpu.yield
        }) : () -> ()
      } else {
      }
    } else {
    }
    return
  }
}

module attributes {stable_mosaic.version = 14 : i64} {
  func.func @_scale_body(%arg0: memref<10000x128xf32, #tpu.memory_space<vmem>>, %arg1: memref<10000xf32, #tpu.memory_space<vmem>>, %arg2: memref<10000x128xf32, #tpu.memory_space<vmem>>) attributes {dimension_semantics = [], scalar_prefetch = 0 : i64, scratch_operands = 0 : i64, tpu.core_type = #tpu.core_type<tc>} {
    %get3A = arith.constant 0 : index
    %get3A_0 = arith.constant 0 : index
    %get3A_1 = vector.load %arg0[%get3A, %get3A_0] : memref<10000x128xf32, #tpu.memory_space<vmem>>, vector<10000x128xf32>
    %get3A_2 = arith.constant 0 : index
    %get3A_3 = vector.load %arg1[%get3A_2] : memref<10000xf32, #tpu.memory_space<vmem>>, vector<10000xf32>
    %reshape3A = vector.shape_cast %get3A_3 : vector<10000xf32> to vector<10000x1xf32>
    %mul3A = vector.broadcast %reshape3A : vector<10000x1xf32> to vector<10000x128xf32>
    %mul3A_4 = arith.mulf %get3A_1, %mul3A : vector<10000x128xf32>
    %swap3A = arith.constant 0 : index
    %swap3A_5 = arith.constant 0 : index
    %swap3A_6 = vector.load %arg2[%swap3A, %swap3A_5] : memref<10000x128xf32, #tpu.memory_space<vmem>>, vector<10000x128xf32>
    tpu.vector_store %arg2[%swap3A, %swap3A_5], %mul3A_4 {strides = array<i32>} : memref<10000x128xf32, #tpu.memory_space<vmem>>, vector<10000x128xf32>,
    return
  }
}

module attributes {stable_mosaic.version = 14 : i64} {
  func.func @_combine_body(%arg0: memref<10000x128xf32, #tpu.memory_space<vmem>>, %arg1: memref<10000x128xf32, #tpu.memory_space<vmem>>, %arg2: memref<10000xf32, #tpu.memory_space<vmem>>, %arg3: memref<10000x128xf32, #tpu.memory_space<vmem>>) attributes {dimension_semantics = [], scalar_prefetch = 0 : i64, scratch_operands = 0 : i64, tpu.core_type = #tpu.core_type<tc>} {
    %get3A = arith.constant 0 : index
    %get3A_0 = vector.load %arg2[%get3A] : memref<10000xf32, #tpu.memory_space<vmem>>, vector<10000xf32>
    %reshape3A = vector.shape_cast %get3A_0 : vector<10000xf32> to vector<10000x1xf32>
    %get3A_1 = arith.constant 0 : index
    %get3A_2 = arith.constant 0 : index
    %get3A_3 = vector.load %arg0[%get3A_1, %get3A_2] : memref<10000x128xf32, #tpu.memory_space<vmem>>, vector<10000x128xf32>
    %get3A_4 = arith.constant 0 : index
    %get3A_5 = arith.constant 0 : index
    %get3A_6 = vector.load %arg1[%get3A_4, %get3A_5] : memref<10000x128xf32, #tpu.memory_space<vmem>>, vector<10000x128xf32>
    %add3A = arith.addf %get3A_3, %get3A_6 : vector<10000x128xf32>
    %mul3A = vector.broadcast %reshape3A : vector<10000x1xf32> to vector<10000x128xf32>
    %mul3A_7 = arith.mulf %mul3A, %add3A : vector<10000x128xf32>
    %swap3A = arith.constant 0 : index
    %swap3A_8 = arith.constant 0 : index
    %swap3A_9 = vector.load %arg3[%swap3A, %swap3A_8] : memref<10000x128xf32, #tpu.memory_space<vmem>>, vector<10000x128xf32>
    tpu.vector_store %arg3[%swap3A, %swap3A_8], %mul3A_7 {strides = array<i32>} : memref<10000x128xf32, #tpu.memory_space<vmem>>, vector<10000x128xf32>,
    return
  }
}

</mosaic_0001>

<sc_bundles>
// kernel: kernel.5.cloned.1.call-start
scs
__scs_entry_jumppad:
0x0: {  	(pc) =	sbr.rel $0x88, $3  }
0x1: {  	(tag) =	ssettag $0x0;
	lr =	simm.s32 $0x1  }
0x2: {  	[smem:$0x3F9E] =	sst lr;
	_ =	strace $0xD0000000  }
0x3: {  	_ = 	snop  }
0x4: {  	_ = 	snop  }
0x5: {  	_ = 	snop  }
0x6: {  	_ = 	snop  }
0x7: {  	_ = 	snop  }
__scs_overlays_trampoline_lowered:
0x8: {  	[smem:$0x3FAD] =	sst s0  }
0x9: {  	[smem:$0x3FAE] =	sst s1  }
0xa: {  	[smem:$0x3FAF] =	sst s2  }
0xb: {  	[smem:$0x3FB0] =	sst s3  }
0xc: {  	[smem:$0x3FB1] =	sst s4  }
0xd: {  	[smem:$0x3FB2] =	sst s5  }
0xe: {  	[smem:$0x3FB3] =	sst s6  }
0xf: {  	[smem:$0x3FB4] =	sst s7  }
0x10: {  	[smem:$0x3FB5] =	sst s8  }
0x11: {  	[smem:$0x3FB6] =	sst s9;
	s0 =	simm.s32 @!p0 $0x0  }
0x12: {  	s1 =	sld [smem:$0x3F9C];
	s0 =	simm.s32 @p0 $0x1  }
0x13: {  	[smem:$0x3FB7] =	sst s0;
	s0 =	simm.s32 @!p1 $0x0  }
0x14: {  	s2 =	sld [smem:$0x3F9B];
	s0 =	simm.s32 @p1 $0x1  }
0x15: {  	[smem:$0x3FB8] =	sst s0;
	s0 =	simm.s32 @!p2 $0x0  }
0x16: {  	s3 =	sld [smem:$0x3FDB];
	s0 =	simm.s32 @p2 $0x1  }
0x17: {  	s4 =	simm.s32 $0x1BF5;
	[smem:$0x3FBA] =	sst s0  }
0x18: {  	s0 =	sld [smem:$0x3F9D];
	_ =	swait.ge [sflag:s4], $0x0  }
0x19: {  	s7 =	sld [smem:$0x3F9E]  }
0x1a: {  	s8 =	sadd.s32 $0xFFFFE003, lr  }
0x1b: {  	s9 =	sadd.s32 $0xFFFFFEF7, lr;
	s5 =	simm.s32 $0xFFFFFFFF;
	p2 =	slt.u32 s8, $0xFFFFF086  }
0x1c: {  	p1 =	slt.u32 s9, $0xF7A;
	s5 =	simm.s32 @!p2 $0x0  }
0x1d: {  	s5 =	simm.s32 @p1 $0x1;
	p0 =	seq.s32 s7, s2  }
0x1e: {  	s7 =	smul.u32 @!p0 $0xF7A, s2;
	p2 =	seq.s32 @!p0 s5, $0x0  }
0x1f: {  	s9 =	smul.u32 $0xF7A, s1;
	s8 =	simm.s32 @!p0 $0x1BF5;
	p2 =	por !p2, p0  }
0x20: {  	[sflag:s8] =	ssyncset.s32 @!p0 $0xFFFFF086;
	s6 =	sadd.s32 @!p0 s3, s7;
	s7 =	simm.s32 @!p0 $0x108  }
0x21: {  	s3 =	sadd.s32 s3, s9;
	s6 =	sadd.s32 @!p0 $0x88, s6;
	s7 =	simm.s32 @p2 $0x1082  }
0x22: {  	[simem:s7], [sflag:s8] =	dma.local @!p0 [hbm:s6], $0xF7A  }
0x23: {  	s9 =	sor.u32 $0xD0000000, s2;
	s6 =	simm.s32 $0x108;
	_ =	swait.ge @!p0 [sflag:s8], $0x0  }
0x24: {  	s3 =	sadd.s32 $0x88, s3;
	s6 =	simm.s32 @!p1 $0x1082;
	[sflag:s4] =	ssyncset.s32 $0xFFFFF086  }
0x25: {  	[simem:s6], [sflag:s4] =	dma.local [hbm:s3], $0xF7A  }
0x26: {  	[smem:$0x3F9E] =	sst s1;
	(tag) =	ssettag s2;
	_ =	strace s9  }
0x27: {  	s1 =	sld [smem:$0x3FAE]  }
0x28: {  	s2 =	sld [smem:$0x3FAF]  }
0x29: {  	s4 =	sld [smem:$0x3FB1]  }
0x2a: {  	p0 =	seq.s32 s5, $0x0;
	s5 =	sld [smem:$0x3FB2]  }
0x2b: {  	s6 =	sld [smem:$0x3FB3]  }
0x2c: {  	s7 =	sld [smem:$0x3FB4]  }
0x2d: {  	s3 =	simm.s32 $0x108;
	s8 =	sld [smem:$0x3FB5]  }
0x2e: {  	s3 =	simm.s32 @!p0 $0x1082;
	s9 =	sld [smem:$0x3FB6]  }
0x2f: {  	lr =	sadd.s32 s0, s3;
	s0 =	sld [smem:$0x3FAD]  }
0x30: {  	s3 =	sld [smem:$0x3FB0]  }
0x31: {  	[smem:$0x3FB9] =	sst s10  }
0x32: {  	s10 =	sld [smem:$0x3FB7];
	_ =	sdelay $0x3  }
0x33: {  	p0 =	seq.s32 s10, $0x1;
	s10 =	sld [smem:$0x3FB9];
	_ =	sdelay $0x3  }
0x34: {  	[smem:$0x3FB9] =	sst s10  }
0x35: {  	s10 =	sld [smem:$0x3FB8];
	_ =	sdelay $0x3  }
0x36: {  	p1 =	seq.s32 s10, $0x1;
	s10 =	sld [smem:$0x3FB9];
	_ =	sdelay $0x3  }
0x37: {  	[smem:$0x3FB9] =	sst s10  }
0x38: {  	s10 =	sld [smem:$0x3FBA]  }
0x39: {  	_ = 	snop;
	(pc) =	sbr.ind lr, $3  }
0x3a: {  	_ = 	snop  }
0x3b: {  	_ = 	snop  }
0x3c: {  	p2 =	seq.s32 s10, $0x1;
	s10 =	sld [smem:$0x3FB9]  }
0x3d: {  	_ =	shalt  }
0x3e: {  	_ =	shalt  }
0x3f: {  	_ =	shalt  }
0x40: {  	_ =	shalt  }
0x41: {  	_ =	shalt  }
0x42: {  	_ =	shalt  }
0x43: {  	_ =	shalt  }
0x44: {  	_ =	shalt  }
0x45: {  	_ =	shalt  }
0x46: {  	_ =	shalt  }
0x47: {  	_ =	shalt  }
0x48: {  	_ =	shalt  }
0x49: {  	_ =	shalt  }
0x4a: {  	_ =	shalt  }
0x4b: {  	_ =	shalt  }
0x4c: {  	_ =	shalt  }
0x4d: {  	_ =	shalt  }
0x4e: {  	_ =	shalt  }
0x4f: {  	_ =	shalt  }
0x50: {  	_ =	shalt  }
0x51: {  	_ =	shalt  }
0x52: {  	_ =	shalt  }
0x53: {  	_ =	shalt  }
0x54: {  	_ =	shalt  }
0x55: {  	_ =	shalt  }
0x56: {  	_ =	shalt  }
0x57: {  	_ =	shalt  }
0x58: {  	_ =	shalt  }
0x59: {  	_ =	shalt  }
0x5a: {  	_ =	shalt  }
0x5b: {  	_ =	shalt  }
0x5c: {  	_ =	shalt  }
0x5d: {  	_ =	shalt  }
0x5e: {  	_ =	shalt  }
0x5f: {  	_ =	shalt  }
0x60: {  	_ =	shalt  }
0x61: {  	_ =	shalt  }
0x62: {  	_ =	shalt  }
0x63: {  	_ =	shalt  }
0x64: {  	_ =	shalt  }
0x65: {  	_ =	shalt  }
0x66: {  	_ =	shalt  }
0x67: {  	_ =	shalt  }
0x68: {  	_ =	shalt  }
0x69: {  	_ =	shalt  }
0x6a: {  	_ =	shalt  }
0x6b: {  	_ =	shalt  }
0x6c: {  	_ =	shalt  }
0x6d: {  	_ =	shalt  }
0x6e: {  	_ =	shalt  }
0x6f: {  	_ =	shalt  }
0x70: {  	_ =	shalt  }
0x71: {  	_ =	shalt  }
0x72: {  	_ =	shalt  }
0x73: {  	_ =	shalt  }
0x74: {  	_ =	shalt  }
0x75: {  	_ =	shalt  }
0x76: {  	_ =	shalt  }
0x77: {  	_ =	shalt  }
0x78: {  	_ =	shalt  }
0x79: {  	_ =	shalt  }
0x7a: {  	_ =	shalt  }
0x7b: {  	_ =	shalt  }
0x7c: {  	_ =	shalt  }
0x7d: {  	_ =	shalt  }
0x7e: {  	_ =	shalt  }
0x7f: {  	_ =	shalt  }
0x80: {  	_ =	shalt  }
0x81: {  	_ =	shalt  }
0x82: {  	_ =	shalt  }
0x83: {  	_ =	shalt  }
0x84: {  	_ =	shalt  }
0x85: {  	_ =	shalt  }
0x86: {  	_ =	shalt  }
0x87: {  	_ =	shalt  }
.Lfunc_end0:
.L_simem_size_0:
called_computation_lowered:
.L_overlay_start_0:
0x88: {  	s2 =	sld [smem:$0x3FD9]  }
0x89: {  	s3 =	sld [smem:$0x3FFE];
	_ =	sdelay $0x1  }
0x8a: {  	s1 =	srdreg.scid  }
0x8b: {  	s0 =	sand.u32 $0x1, s1  }
0x8c: {  	s17 =	sshll.u32 s0, $0xA;
	s2 =	sadd.s32 s3, s2  }
0x8d: {  	s2 =	sadd.s32 s2, s17  }
0x8e: {  	[smem:$0x3FC5] =	sst s2  }
0x8f: {  	_ = 	snop  }
0x90: {  	s2 =	sld [smem:$0x3FC7]  }
0x91: {  	s18 =	sld [smem:$0x3FD0];
	(tm) =	ssettm $0x1  }
0x92: {  	s4 =	sld [smem:$0x3FFB];
	_ =	sdelay $0x3  }
0x93: {  	_ =	strace s4  }
0x94: {  	s4 =	sld [smem:$0x3FFC];
	_ =	sdelay $0x3  }
0x95: {  	_ =	strace s4  }
0x96: {  	s4 =	sld [smem:$0x3FFD];
	_ =	sdelay $0x3  }
0x97: {  	_ =	strace s4  }
0x98: {  	_ =	strace $0x8FFFFFFF  }
0x99: {  	s19 =	sld [smem:$0x3FDB];
	_ =	sdelay $0x1  }
0x9a: {  	s5 =	simm.s32 $_scs_section_size  }
0x9b: {  	s6 =	simm.s32 $_size__tile_overlayer_lowered;
	s7 =	simm.s32 $_tile_overlayer_lowered  }
0x9c: {  	s22 =	simm.s32 $0x1BFF;
	s21 =	sshll.u32 s7, $0x1;
	s4 =	sadd.s32 s5, s19  }
0x9d: {  	s8 =	simm.s32 $0x0;
	s20 =	sshll.u32 s6, $0x1;
	s6 =	sadd.s32 s21, s4  }
0x9e: {  	[timem:s8], [sflag:s22] =	dma.local [hbm:s6], s20  }
0x9f: {  	_ =	swait.ge [sflag:s22], s20  }
0xa0: {  	s5 =	ssub.s32 $0x0, s20;
	[sflag:s22] =	ssyncset.done $0x0  }
0xa1: {  	[sflag:s22] =	ssyncadd.s32 s5;
	_ =	sdelay $0x1  }
0xa2: {  	s23 =	simm.s32 $0x1B8B  }
0xa3: {  	_ =	swait.ge [sflag:s23], $0x1  }
0xa4: {  	[sflag:s23] =	ssyncset.done $0x0  }
0xa5: {  	s25 =	simm.s32 $0x1B8E;
	s24 =	sld [smem:$0x3FFE];
	[sflag:s23] =	ssyncadd.s32 $0xFFFFFFFF  }
0xa6: {  	s26 =	simm.s32 $execute0_lowered;
	[smem:$0x3FD2] =	sst s25  }
0xa7: {  	s6 =	sshll.u32 s26, $0x1;
	_ =	strace $0x80000046;
	[dreg:$0x1] =	wrdreg $0xFFFFFFFF  }
0xa8: {  	s28 =	simm.s32 $_size_execute0_lowered;
	s4 =	sadd.s32 s4, s6;
	[dreg:$0x0] =	wrdreg $0x0  }
0xa9: {  	s6 =	sshll.u32 s28, $0x1;
	[dreg:$0x2] =	wrdreg s4  }
0xaa: {  	[dreg:$0x3] =	wrdreg s6  }
0xab: {  	[dreg:$0x4] =	wrdreg $0xC0  }
0xac: {  	_ =	task [dreg:s8], $0x5FFFF  }
0xad: {  	[dreg:$0x1] =	wrdreg $0xFFFFFFFF  }
0xae: {  	[dreg:$0x0] =	wrdreg $0x60  }
0xaf: {  	[dreg:$0x2] =	wrdreg s18  }
0xb0: {  	[dreg:$0x3] =	wrdreg s2  }
0xb1: {  	[dreg:$0x4] =	wrdreg s24  }
0xb2: {  	[dreg:$0x5] =	wrdreg $0xB0000  }
0xb3: {  	[dreg:$0x6] =	wrdreg $0x9  }
0xb4: {  	_ =	task.clear_ibuf [dreg:s8], $0x7FFFF;
	_ =	strace $0x90000046  }
0xb5: {  	s29 =	simm.s32 $0x9;
	_ =	strace $0x80000048  }
0xb6: {  	_ =	swait.ge [sflag:s29], $0x1  }
0xb7: {  	[sflag:s29] =	ssyncadd.s32 $0xFFFFFFFF  }
0xb8: {  	_ =	strace $0x90000048  }
0xb9: {  	_ =	sfence  }
0xba: {  	s30 =	sld [smem:$0x0];
	_ =	sdelay $0x2  }
0xbb: {  	s31 =	sshll.u32 s1, $0xD;
	s1 =	sshrl.u32 s1, $0x2  }
0xbc: {  	s3 =	sand.u32 $0x4000, s31;
	s1 =	sadd.s32 s1, s30  }
0xbd: {  	s0 =	sor.u32 s3, s0;
	s1 =	sshll.u32 s1, $0x11  }
0xbe: {  	s0 =	sor.u32 s1, s0  }
0xbf: {  	s0 =	sadd.s32 $0x8F2B, s0  }
0xc0: {  	[sflag:s0] =	ssyncadd.remote.s32 $0x1  }
0xc1: {  	_ =	sfence.sel $0xFFFF  }
0xc2: {  	[dreg:$0x0] =	wrdreg $0xFFFFFFFF;
	(pc) =	sbr.abs _section_cstart, $3  }
0xc3: {  	[dreg:$0x1] =	wrdreg $0xFFFFFFFF  }
0xc4: {  	_ =	task.clear_ibuf [dreg:s8], $0x2FFFF;
	_ =	strace $0x9FFFFFFF  }
0xc5: {  	(tm) =	ssettm $0x7FFFFFFF  }
tec
execute0_lowered:
.L_overlay_start_1:
0x0: {  	(tag) =	ssettag $0x1  }
0x1: {  	s1 =	rddreg [dreg:$0x0]  }
0x2: {  	s0 =	rddreg [dreg:$0x1]  }
0x3: {  	s3 =	rddreg [dreg:$0x2]  }
0x4: {  	s2 =	rddreg [dreg:$0x3];
	s4 =	srdreg.scid  }
0x5: {  	s5 =	simm.s32 $0x0;
	s11 =	stileid.u32;
	s29 =	simm.s32 $0x80  }
0x6: {  	s30 =	simm.s32 $0x100;
	s31 =	simm.s32 $0x1400;
	s4 =	sand.u32 $0x1, s4  }
0x7: {  	[smem:$0x7FF] =	sst s5;
	s12 =	sadd.s32 $0xC00, s3;
	s13 =	sadd.s32 $0x27E00, s3  }
0x8: {  	s8 =	smul.u32 $0x4E000, s11;
	s14 =	sshll.u32 s11, $0x4;
	s15 =	sadd.s32 $0x138000, s2  }
0x9: {  	s22 =	smul.u32 $0x2700, s11;
	s25 =	sand.u32 $0x7, s11;
	p1 =	sne.s32 s11, $0xF  }
0xa: {  	p2 =	seq.s32 s11, $0xF;
	s9 =	sshll.u32 s4, $0x4;
	_ =	strace $0x80000047  }
0xb: {  	s6 =	ssub.s32 $0x2, s4;
	s7 =	sand.u32 $0x70, s14;
	[dreg:$0x5] =	wrdreg s12  }
0xc: {  	p0 =	seq.s32 s4, $0x1;
	[dreg:$0x6] =	wrdreg s13;
	s4 =	simm.s32 $0x1  }
0xd: {  	s5 =	sor.u32 s11, s9;
	s10 =	sshrl.u32 s6, $0x1;
	s8 =	sshrl.u32 s8, $0x2  }
0xe: {  	s16 =	sor.u32 $0x1400, s7;
	s24 =	sadd.s32 s12, s22;
	s26 =	sadd.s32 s13, s22  }
0xf: {  	s11 =	simm.s32 $0x6;
	s12 =	simm.s32 $0x0;
	s5 =	smul.u32 $0x4E20, s5  }
0x10: {  	s3 =	ssub.s32 s6, s10;
	s10 =	sadd.s32 $0x10, s0;
	[dreg:$0xf] =	wrdreg s24  }
0x11: {  	[dreg:$0x10] =	wrdreg s26;
	s26 =	sor.u32 $0x2700, s7;
	s5 =	sand.u32 $0xFFF00, s5  }
0x12: {  	s6 =	simm.s32 $0x4;
	s3 =	smax.u32 s3, $0x1;
	s5 =	sshrl.u32 s5, $0x3  }
0x13: {  	[dreg:$0x11] =	wrdreg s3;
	s3 =	simm.s32 $0x10;
	s9 =	sadd.s32 s0, s5  }
0x14: {  	s17 =	sadd.s32 s5, s10;
	s5 =	sadd.s32 $0x4E0, s5;
	[dreg:$0x7] =	wrdreg s9  }
0x15: {  	s9 =	sadd.s32 s8, s2;
	[dreg:$0x8] =	wrdreg s17;
	s0 =	sadd.s32 s0, s5  }
0x16: {  	s23 =	sadd.s32 s5, s10;
	s5 =	simm.s32 $0x2;
	[dreg:$0xd] =	wrdreg s0  }
0x17: {  	s8 =	simm.s32 $0xA800;
	s18 =	sadd.s32 $0x4000, s9;
	[dreg:$0xe] =	wrdreg s23  }
0x18: {  	s10 =	simm.s32 $0x3;
	s19 =	sadd.s32 $0x8000, s9;
	[dreg:$0x9] =	wrdreg s18  }
.Ltmp0:
0x19: {  	s20 =	sadd.s32 $0xC000, s9;
	[dreg:$0xa] =	wrdreg s19;
	(pc) =	sbr.rel .LBB2_1-.Ltmp0, $4  }
0x1a: {  	s21 =	sadd.s32 $0x10000, s9;
	s0 =	sshll.u32 s25, $0x4;
	[dreg:$0xb] =	wrdreg s20  }
0x1b: {  	s23 =	sor.u32 $0x80, s14;
	s25 =	sor.u32 $0x1480, s14;
	[dreg:$0xc] =	wrdreg s21  }
0x1c: {  	s19 =	sor.u32 $0x1380, s14;
	s24 =	sor.u32 $0x100, s0;
	s0 =	simm.s32 $0x2800  }
0x1d: {  	v0 =	vimm.f32 $0.0e+00;
	s20 =	simm.s32 $0x6800;
	s21 =	simm.s32 $0x5;
	s28 =	sadd.s32 $0x1400, s19  }
.LBB2_10:
0x1e: {  	s14 =	sadd.s32 $0x27000, s14;
	s17 =	sshrl.u32 s15, $0x3  }
0x1f: {  	[hbm:s14], [sflag:s13] =	dma.local [spmem:s17], $0x100  }
0x20: {  	_ =	swait.ge [sflag:s11], $0x100  }
0x21: {  	[sflag:s11] =	ssyncset.done $0x0  }
0x22: {  	[sflag:s11] =	ssyncadd.s32 $0xFFFFFF00  }
.LBB2_11:
0x23: {  	s12 =	sadd.s32 $0x1, s12;
	s13 =	rddreg [dreg:$0x11]  }
0x24: {  	p3 =	sne.s32 s12, s13  }
.Ltmp1:
0x25: {  	_ = 	snop;
	(pc) =	sbr.rel @!p3 .LBB2_12-.Ltmp1, $1  }
0x26: {  	_ =	sdelay $0x3  }
.LBB2_1:
0x27: {  	s13 =	simm.s32 $0x0;
	s14 =	rddreg [dreg:$0x7]  }
0x28: {  	[tilespmem:s13], [sflag:$0x1] =	stream.strided.gather [hbm4b:s14+s29], $0x1400, s30, s29, $0x38;
	[tilespmem:$0x1E880] =	vst v63  }
0x29: {  	s22 =	rddreg [dreg:$0x8];
	s13 =	simm.s32 $0x0;
	s14 =	simm.s32 $0x200  }
0x2a: {  	[tilespmem:s31], [sflag:$0x2] =	stream.strided.gather [hbm4b:s22+s29], $0x1400, s30, s29, $0x38;
	[tilespmem:$0x1E880] =	vst v63  }
.LBB2_2:
0x2b: {  	p3 =	sne.s32 s14, $0xFE00;
	[tilespmem:s13+$0x2870] =	vst v0  }
0x2c: {  	[tilespmem:s13+$0x2800] =	vst v0  }
0x2d: {  	[tilespmem:s13+$0x2810] =	vst v0  }
.Ltmp2:
0x2e: {  	[tilespmem:s13+$0x2820] =	vst v0;
	(pc) =	sbr.rel @p3 .LBB2_2-.Ltmp2, $4  }
0x2f: {  	[tilespmem:s13+$0x2830] =	vst v0  }
0x30: {  	[tilespmem:s13+$0x2840] =	vst v0  }
0x31: {  	[tilespmem:s13+$0x2850] =	vst v0  }
0x32: {  	[tilespmem:s13+$0x2860] =	vst v0;
	s13 =	sshra.s32 s14, $0x2;
	s14 =	sadd.s32 $0x200, s14  }
0x33: {  	[tilespmem:s13+$0x2870] =	vst v0  }
0x34: {  	[tilespmem:s13+$0x2800] =	vst v0  }
0x35: {  	[tilespmem:s13+$0x2810] =	vst v0  }
0x36: {  	[tilespmem:s13+$0x2820] =	vst v0  }
0x37: {  	[tilespmem:s13+$0x2830] =	vst v0  }
0x38: {  	[tilespmem:s13+$0x2840] =	vst v0  }
0x39: {  	[tilespmem:s13+$0x2850] =	vst v0  }
0x3a: {  	[tilespmem:s13+$0x2860] =	vst v0  }
0x3b: {  	[spmem:s9] =	stream.linear.scatter [tilespmem:s0], [sflag:$0x4], $0x4000, $0x38;
	[tilespmem:$0x1E880] =	vst v63  }
0x3c: {  	s14 =	rddreg [dreg:$0x9]  }
0x3d: {  	[spmem:s14] =	stream.linear.scatter [tilespmem:s0], [sflag:$0x4], $0x4000, $0x38;
	[tilespmem:$0x1E880] =	vst v63  }
0x3e: {  	s17 =	rddreg [dreg:$0xa]  }
0x3f: {  	[spmem:s17] =	stream.linear.scatter [tilespmem:s0], [sflag:$0x4], $0x4000, $0x38;
	[tilespmem:$0x1E880] =	vst v63  }
0x40: {  	s18 =	rddreg [dreg:$0xb]  }
0x41: {  	[spmem:s18] =	stream.linear.scatter [tilespmem:s0], [sflag:$0x4], $0x4000, $0x38;
	[tilespmem:$0x1E880] =	vst v63  }
0x42: {  	s22 =	rddreg [dreg:$0xc]  }
0x43: {  	[spmem:s22] =	stream.linear.scatter [tilespmem:s0], [sflag:$0x4], $0x3800, $0x38;
	[tilespmem:$0x1E880] =	vst v63  }
0x44: {  	_ =	swait.ge [sflag:s4], $0x1400  }
0x45: {  	[sflag:s4] =	ssyncset.done $0x0  }
0x46: {  	[sflag:s4] =	ssyncadd.s32 $0xFFFFEC00  }
0x47: {  	_ =	swait.ge [sflag:s5], $0x1400  }
0x48: {  	[sflag:s5] =	ssyncset.done $0x0  }
0x49: {  	[sflag:s5] =	ssyncadd.s32 $0xFFFFEC00  }
0x4a: {  	[tilespmem:s20], [sflag:$0x2] =	stream.indirect.gather [hbm4b:s1+s29], $0x80, s7, s29, $0xb8;
	[tilespmem:$0x1E880] =	vst v63  }
0x4b: {  	_ =	swait.ge [sflag:s6], $0x4000  }
0x4c: {  	[sflag:s6] =	ssyncset.done $0x0  }
0x4d: {  	[sflag:s6] =	ssyncadd.s32 $0xFFFFC000  }
0x4e: {  	_ =	swait.ge [sflag:s6], $0x4000  }
0x4f: {  	[sflag:s6] =	ssyncset.done $0x0  }
0x50: {  	[sflag:s6] =	ssyncadd.s32 $0xFFFFC000  }
0x51: {  	_ =	swait.ge [sflag:s6], $0x4000  }
0x52: {  	[sflag:s6] =	ssyncset.done $0x0  }
0x53: {  	[sflag:s6] =	ssyncadd.s32 $0xFFFFC000  }
0x54: {  	_ =	swait.ge [sflag:s6], $0x4000  }
0x55: {  	[sflag:s6] =	ssyncset.done $0x0  }
0x56: {  	[sflag:s6] =	ssyncadd.s32 $0xFFFFC000  }
0x57: {  	_ =	swait.ge [sflag:s6], $0x3800  }
0x58: {  	[sflag:s6] =	ssyncset.done $0x0  }
0x59: {  	s13 =	simm.s32 @!p1 $0x2800;
	[sflag:s6] =	ssyncadd.s32 $0xFFFFC800  }
0x5a: {  	[spmem:s15] =	stream.linear.scatter @!p1 [tilespmem:s13], [sflag:$0x6], $0x800, $0x38;
	[tilespmem:$0x1E880] =	vst v63  }
0x5b: {  	s13 =	simm.s32 @!p1 $0x6  }
0x5c: {  	_ =	swait.ge @!p1 [sflag:s13], $0x800  }
0x5d: {  	[sflag:s13] =	ssyncset.done @!p1 $0x0  }
0x5e: {  	[sflag:s13] =	ssyncadd.s32 @!p1 $0xFFFFF800  }
0x5f: {  	s14 =	sadd.s32 $0x0, s23;
	[bflag:$0x0] =	sbarrier.arrive $0xFFFF  }
0x60: {  	[tilespmem:s0], [sflag:$0x1] =	stream.indirect.gather [hbm4b:s1+s29], $0x80, s14, s29, $0xb8;
	[tilespmem:$0x1E880] =	vst v63  }
0x61: {  	_ =	swait.ge [sflag:s5], $0x4000  }
0x62: {  	[sflag:s5] =	ssyncset.done $0x0  }
0x63: {  	s17 =	sadd.s32 $0x0, s16;
	[sflag:s5] =	ssyncadd.s32 $0xFFFFC000  }
0x64: {  	[spmem:s2] =	stream.indirect.scatter.add.f32 [tilespmem:s20], [sflag:$0x5], $0x80, s17, s29, $0xb8;
	[tilespmem:$0x1E880] =	vst v63  }
0x65: {  	_ =	swait.ge [sflag:s21], $0x4000  }
0x66: {  	[sflag:s21] =	ssyncset.done $0x0  }
0x67: {  	s18 =	sadd.s32 $0x0, s24;
	[sflag:s21] =	ssyncadd.s32 $0xFFFFC000  }
0x68: {  	[tilespmem:s20], [sflag:$0x2] =	stream.indirect.gather [hbm4b:s1+s29], $0x80, s18, s29, $0xb8;
	[tilespmem:$0x1E880] =	vst v63  }
0x69: {  	_ =	swait.ge [sflag:s4], $0x4000  }
0x6a: {  	[sflag:s4] =	ssyncset.done $0x0  }
0x6b: {  	s22 =	sadd.s32 $0x0, s25;
	[sflag:s4] =	ssyncadd.s32 $0xFFFFC000  }
0x6c: {  	[spmem:s2] =	stream.indirect.scatter.add.f32 [tilespmem:s0], [sflag:$0x4], $0x80, s22, s29, $0xb8;
	[tilespmem:$0x1E880] =	vst v63  }
0x6d: {  	_ =	swait.ge [sflag:s6], $0x4000  }
0x6e: {  	s13 =	simm.s32 $0x100;
	s14 =	simm.s32 $0x800;
	[sflag:s6] =	ssyncset.done $0x0  }
.LBB2_4:
0x6f: {  	s17 =	sadd.s32 s13, s23  }
0x70: {  	[sflag:s6] =	ssyncadd.s32 $0xFFFFC000;
	s18 =	smov.u32 s14;
	s22 =	sadd.s32 $0x400, s14  }
0x71: {  	[tilespmem:s0], [sflag:$0x1] =	stream.indirect.gather [hbm4b:s1+s29], $0x80, s17, s29, $0xb8;
	[tilespmem:$0x1E880] =	vst v63  }
0x72: {  	p3 =	sne.s32 s14, $0x4800;
	_ =	swait.ge [sflag:s5], $0x4000  }
0x73: {  	[sflag:s5] =	ssyncset.done $0x0  }
0x74: {  	s14 =	sadd.s32 s13, s16;
	[sflag:s5] =	ssyncadd.s32 $0xFFFFC000  }
0x75: {  	[spmem:s2] =	stream.indirect.scatter.add.f32 [tilespmem:s20], [sflag:$0x5], $0x80, s14, s29, $0xb8;
	[tilespmem:$0x1E880] =	vst v63  }
0x76: {  	_ =	swait.ge [sflag:s21], $0x4000  }
0x77: {  	[sflag:s21] =	ssyncset.done $0x0  }
0x78: {  	s14 =	sadd.s32 s13, s24;
	[sflag:s21] =	ssyncadd.s32 $0xFFFFC000  }
0x79: {  	[tilespmem:s20], [sflag:$0x2] =	stream.indirect.gather [hbm4b:s1+s29], $0x80, s14, s29, $0xb8;
	[tilespmem:$0x1E880] =	vst v63  }
0x7a: {  	_ =	swait.ge [sflag:s4], $0x4000  }
.Ltmp3:
0x7b: {  	[sflag:s4] =	ssyncset.done $0x0;
	(pc) =	sbr.rel @p3 .LBB2_4-.Ltmp3, $4  }
0x7c: {  	s13 =	sadd.s32 s13, s25;
	[sflag:s4] =	ssyncadd.s32 $0xFFFFC000  }
0x7d: {  	[spmem:s2] =	stream.indirect.scatter.add.f32 [tilespmem:s0], [sflag:$0x4], $0x80, s13, s29, $0xb8;
	[tilespmem:$0x1E880] =	vst v63  }
0x7e: {  	_ =	swait.ge [sflag:s6], $0x4000  }
0x7f: {  	s14 =	smov.u32 s22;
	s13 =	sshra.s32 s18, $0x2;
	[sflag:s6] =	ssyncset.done $0x0  }
0x80: {  	s14 =	sadd.s32 s13, s23;
	[sflag:s6] =	ssyncadd.s32 $0xFFFFC000  }
0x81: {  	[tilespmem:s0], [sflag:$0x1] =	stream.indirect.gather [hbm4b:s1+s29], $0x80, s14, s29, $0xb8;
	[tilespmem:$0x1E880] =	vst v63  }
0x82: {  	_ =	swait.ge [sflag:s5], $0x4000  }
0x83: {  	[sflag:s5] =	ssyncset.done $0x0  }
0x84: {  	s18 =	sadd.s32 s13, s16;
	[sflag:s5] =	ssyncadd.s32 $0xFFFFC000  }
0x85: {  	[spmem:s2] =	stream.indirect.scatter.add.f32 [tilespmem:s20], [sflag:$0x5], $0x80, s18, s29, $0xb8;
	[tilespmem:$0x1E880] =	vst v63  }
0x86: {  	_ =	swait.ge [sflag:s21], $0x4000  }
0x87: {  	[sflag:s21] =	ssyncset.done $0x0  }
0x88: {  	s22 =	sadd.s32 s13, s24;
	[sflag:s21] =	ssyncadd.s32 $0xFFFFC000  }
0x89: {  	[tilespmem:s20], [sflag:$0x2] =	stream.indirect.gather [hbm4b:s1+s29], $0x80, s22, s29, $0xb8;
	[tilespmem:$0x1E880] =	vst v63  }
0x8a: {  	_ =	swait.ge [sflag:s4], $0x4000  }
0x8b: {  	[sflag:s4] =	ssyncset.done $0x0  }
0x8c: {  	s14 =	sadd.s32 s13, s25;
	[sflag:s4] =	ssyncadd.s32 $0xFFFFC000  }
0x8d: {  	[spmem:s2] =	stream.indirect.scatter.add.f32 [tilespmem:s0], [sflag:$0x4], $0x80, s14, s29, $0xb8;
	[tilespmem:$0x1E880] =	vst v63  }
0x8e: {  	_ =	swait.ge [sflag:s6], $0x4000  }
0x8f: {  	[sflag:s6] =	ssyncset.done $0x0  }
0x90: {  	[sflag:s6] =	ssyncadd.s32 $0xFFFFC000  }
0x91: {  	_ =	swait.ge [sflag:s5], $0x4000  }
0x92: {  	[sflag:s5] =	ssyncset.done $0x0  }
0x93: {  	[sflag:s5] =	ssyncadd.s32 $0xFFFFC000  }
0x94: {  	[spmem:s2] =	stream.indirect.scatter.add.f32 [tilespmem:s20], [sflag:$0x5], $0x80, s26, s29, $0xb8;
	[tilespmem:$0x1E880] =	vst v63  }
0x95: {  	_ =	swait.ge [sflag:s21], $0x4000  }
0x96: {  	[sflag:s21] =	ssyncset.done $0x0  }
0x97: {  	s17 =	simm.s32 $0x0;
	s18 =	rddreg [dreg:$0xd];
	[sflag:s21] =	ssyncadd.s32 $0xFFFFC000  }
0x98: {  	[tilespmem:s17], [sflag:$0x1] =	stream.strided.gather [hbm4b:s18+s29], $0x1400, s30, s29, $0x38;
	[tilespmem:$0x1E880] =	vst v63  }
0x99: {  	s22 =	rddreg [dreg:$0xe]  }
0x9a: {  	[tilespmem:s31], [sflag:$0x2] =	stream.strided.gather [hbm4b:s22+s29], $0x1400, s30, s29, $0x38;
	[tilespmem:$0x1E880] =	vst v63  }
0x9b: {  	_ =	swait.ge [sflag:s4], $0x1400  }
0x9c: {  	[sflag:s4] =	ssyncset.done $0x0  }
0x9d: {  	[sflag:s4] =	ssyncadd.s32 $0xFFFFEC00  }
0x9e: {  	_ =	swait.ge [sflag:s5], $0x1400  }
0x9f: {  	[sflag:s5] =	ssyncset.done $0x0  }
0xa0: {  	[sflag:s5] =	ssyncadd.s32 $0xFFFFEC00  }
0xa1: {  	[tilespmem:s8], [sflag:$0x3] =	stream.indirect.gather [hbm4b:s1+s3], $0x80, s19, s3, $0xb8;
	[tilespmem:$0x1E880] =	vst v63  }
0xa2: {  	_ = 	snop  }
0xa3: {  	[tilespmem:s20], [sflag:$0x2] =	stream.indirect.gather [hbm4b:s1+s29], $0x80, s7, s29, $0xb8;
	[tilespmem:$0x1E880] =	vst v63  }
0xa4: {  	s14 =	sadd.s32 $0x0, s23  }
0xa5: {  	[tilespmem:s0], [sflag:$0x1] =	stream.indirect.gather [hbm4b:s1+s29], $0x80, s14, s29, $0xb8;
	[tilespmem:$0x1E880] =	vst v63  }
0xa6: {  	_ =	swait.ge [sflag:s5], $0x4000  }
0xa7: {  	[sflag:s5] =	ssyncset.done $0x0  }
0xa8: {  	s17 =	sadd.s32 $0x0, s16;
	[sflag:s5] =	ssyncadd.s32 $0xFFFFC000  }
0xa9: {  	[spmem:s2] =	stream.indirect.scatter.add.f32 [tilespmem:s20], [sflag:$0x5], $0x80, s17, s29, $0xb8;
	[tilespmem:$0x1E880] =	vst v63  }
0xaa: {  	_ =	swait.ge [sflag:s21], $0x4000  }
0xab: {  	[sflag:s21] =	ssyncset.done $0x0  }
0xac: {  	s18 =	sadd.s32 $0x0, s24;
	[sflag:s21] =	ssyncadd.s32 $0xFFFFC000  }
0xad: {  	[tilespmem:s20], [sflag:$0x2] =	stream.indirect.gather [hbm4b:s1+s29], $0x80, s18, s29, $0xb8;
	[tilespmem:$0x1E880] =	vst v63  }
0xae: {  	_ =	swait.ge [sflag:s4], $0x4000  }
0xaf: {  	[sflag:s4] =	ssyncset.done $0x0  }
0xb0: {  	s22 =	sadd.s32 $0x0, s25;
	[sflag:s4] =	ssyncadd.s32 $0xFFFFC000  }
0xb1: {  	[spmem:s2] =	stream.indirect.scatter.add.f32 [tilespmem:s0], [sflag:$0x4], $0x80, s22, s29, $0xb8;
	[tilespmem:$0x1E880] =	vst v63  }
0xb2: {  	_ =	swait.ge [sflag:s6], $0x4000  }
0xb3: {  	s13 =	simm.s32 $0x100;
	s14 =	simm.s32 $0x800;
	[sflag:s6] =	ssyncset.done $0x0  }
.LBB2_6:
0xb4: {  	s17 =	sadd.s32 s13, s23  }
0xb5: {  	[sflag:s6] =	ssyncadd.s32 $0xFFFFC000;
	s18 =	smov.u32 s14;
	s22 =	sadd.s32 $0x400, s14  }
0xb6: {  	[tilespmem:s0], [sflag:$0x1] =	stream.indirect.gather [hbm4b:s1+s29], $0x80, s17, s29, $0xb8;
	[tilespmem:$0x1E880] =	vst v63  }
0xb7: {  	p3 =	sne.s32 s14, $0x4800;
	_ =	swait.ge [sflag:s5], $0x4000  }
0xb8: {  	[sflag:s5] =	ssyncset.done $0x0  }
0xb9: {  	s14 =	sadd.s32 s13, s16;
	[sflag:s5] =	ssyncadd.s32 $0xFFFFC000  }
0xba: {  	[spmem:s2] =	stream.indirect.scatter.add.f32 [tilespmem:s20], [sflag:$0x5], $0x80, s14, s29, $0xb8;
	[tilespmem:$0x1E880] =	vst v63  }
0xbb: {  	_ =	swait.ge [sflag:s21], $0x4000  }
0xbc: {  	[sflag:s21] =	ssyncset.done $0x0  }
0xbd: {  	s14 =	sadd.s32 s13, s24;
	[sflag:s21] =	ssyncadd.s32 $0xFFFFC000  }
0xbe: {  	[tilespmem:s20], [sflag:$0x2] =	stream.indirect.gather [hbm4b:s1+s29], $0x80, s14, s29, $0xb8;
	[tilespmem:$0x1E880] =	vst v63  }
0xbf: {  	_ =	swait.ge [sflag:s4], $0x4000  }
.Ltmp4:
0xc0: {  	[sflag:s4] =	ssyncset.done $0x0;
	(pc) =	sbr.rel @p3 .LBB2_6-.Ltmp4, $4  }
0xc1: {  	s13 =	sadd.s32 s13, s25;
	[sflag:s4] =	ssyncadd.s32 $0xFFFFC000  }
0xc2: {  	[spmem:s2] =	stream.indirect.scatter.add.f32 [tilespmem:s0], [sflag:$0x4], $0x80, s13, s29, $0xb8;
	[tilespmem:$0x1E880] =	vst v63  }
0xc3: {  	_ =	swait.ge [sflag:s6], $0x4000  }
0xc4: {  	s14 =	smov.u32 s22;
	s13 =	sshra.s32 s18, $0x2;
	[sflag:s6] =	ssyncset.done $0x0  }
0xc5: {  	s14 =	sadd.s32 s13, s23;
	[sflag:s6] =	ssyncadd.s32 $0xFFFFC000  }
0xc6: {  	[tilespmem:s0], [sflag:$0x1] =	stream.indirect.gather [hbm4b:s1+s29], $0x80, s14, s29, $0xb8;
	[tilespmem:$0x1E880] =	vst v63  }
0xc7: {  	_ =	swait.ge [sflag:s5], $0x4000  }
0xc8: {  	[sflag:s5] =	ssyncset.done $0x0  }
0xc9: {  	s22 =	sadd.s32 s13, s16;
	[sflag:s5] =	ssyncadd.s32 $0xFFFFC000  }
0xca: {  	[spmem:s2] =	stream.indirect.scatter.add.f32 [tilespmem:s20], [sflag:$0x5], $0x80, s22, s29, $0xb8;
	[tilespmem:$0x1E880] =	vst v63  }
0xcb: {  	_ =	swait.ge [sflag:s21], $0x4000  }
0xcc: {  	[sflag:s21] =	ssyncset.done $0x0  }
0xcd: {  	s17 =	sadd.s32 s13, s24;
	[sflag:s21] =	ssyncadd.s32 $0xFFFFC000  }
0xce: {  	[tilespmem:s20], [sflag:$0x2] =	stream.indirect.gather [hbm4b:s1+s29], $0x80, s17, s29, $0xb8;
	[tilespmem:$0x1E880] =	vst v63  }
0xcf: {  	_ =	swait.ge [sflag:s4], $0x4000  }
0xd0: {  	[sflag:s4] =	ssyncset.done $0x0  }
0xd1: {  	s18 =	sadd.s32 s13, s25;
	[sflag:s4] =	ssyncadd.s32 $0xFFFFC000  }
0xd2: {  	[spmem:s2] =	stream.indirect.scatter.add.f32 [tilespmem:s0], [sflag:$0x4], $0x80, s18, s29, $0xb8;
	[tilespmem:$0x1E880] =	vst v63  }
0xd3: {  	_ =	swait.ge [sflag:s6], $0x4000  }
0xd4: {  	[sflag:s6] =	ssyncset.done $0x0  }
0xd5: {  	[sflag:s6] =	ssyncadd.s32 $0xFFFFC000  }
0xd6: {  	_ =	swait.ge [sflag:s5], $0x4000  }
0xd7: {  	[sflag:s5] =	ssyncset.done $0x0  }
0xd8: {  	[sflag:s5] =	ssyncadd.s32 $0xFFFFC000  }
0xd9: {  	[spmem:s2] =	stream.indirect.scatter.add.f32 [tilespmem:s20], [sflag:$0x5], $0x80, s26, s29, $0xb8;
	[tilespmem:$0x1E880] =	vst v63  }
0xda: {  	_ =	swait.ge [sflag:s21], $0x4000  }
0xdb: {  	[sflag:s21] =	ssyncset.done $0x0  }
0xdc: {  	[sflag:s21] =	ssyncadd.s32 $0xFFFFC000  }
0xdd: {  	_ =	swait.ge [sflag:s10], $0x800  }
0xde: {  	[sflag:s10] =	ssyncset.done $0x0  }
0xdf: {  	[sflag:s10] =	ssyncadd.s32 $0xFFFFF800  }
0xe0: {  	[spmem:s2] =	stream.indirect.scatter.add.f32 [tilespmem:s8], [sflag:$0x5], $0x80, s28, s3, $0xb8;
	[tilespmem:$0x1E880] =	vst v63  }
.Ltmp5:
0xe1: {  	_ =	swait.ge [sflag:s21], $0x800;
	(pc) =	sbr.rel @!p0 .LBB2_8-.Ltmp5, $4  }
0xe2: {  	[sflag:s21] =	ssyncset.done $0x0  }
0xe3: {  	s22 =	stileid.u32;
	[sflag:s21] =	ssyncadd.s32 $0xFFFFF800  }
0xe4: {  	s17 =	sshll.u32 s22, $0x6;
	[bflag:$0x0] =	sbarrier.arrive $0xFFFF  }
0xe5: {  	s14 =	sshrl.u32 s9, $0x3;
	s13 =	sor.u32 $0x1C06, s17  }
0xe6: {  	s13 =	sor.u32 $0x1C06, s17;
	s22 =	rddreg [dreg:$0x10]  }
0xe7: {  	[hbm:s22], [sflag:s13] =	dma.local [spmem:s14], $0x2700  }
.Ltmp6:
0xe8: {  	_ = 	snop;
	(pc) =	sbr.rel @p1 .LBB2_11-.Ltmp6, $4  }
.Ltmp7:
0xe9: {  	_ = 	snop;
	(pc) =	sbr.rel @!p1 .LBB2_10-.Ltmp7, $4  }
0xea: {  	_ =	swait.ge [sflag:s11], $0x2700  }
0xeb: {  	[sflag:s11] =	ssyncset.done $0x0  }
0xec: {  	s14 =	rddreg [dreg:$0x6];
	[sflag:s11] =	ssyncadd.s32 $0xFFFFD900  }
0xed: {  	_ = 	snop  }
.LBB2_8:
0xee: {  	s17 =	rddreg [dreg:$0xf]  }
0xef: {  	[hbm:s17], [sflag:s13] =	dma.local [spmem:s14], $0x2700  }
.Ltmp8:
0xf0: {  	_ = 	snop;
	(pc) =	sbr.rel @p2 .LBB2_10-.Ltmp8, $4  }
.Ltmp9:
0xf1: {  	_ = 	snop;
	(pc) =	sbr.rel @!p2 .LBB2_11-.Ltmp9, $4  }
0xf2: {  	_ =	swait.ge [sflag:s11], $0x2700  }
0xf3: {  	[sflag:s11] =	ssyncset.done $0x0  }
0xf4: {  	s14 =	rddreg [dreg:$0x5];
	[sflag:s11] =	ssyncadd.s32 $0xFFFFD900  }
0xf5: {  	_ = 	snop  }
.LBB2_12:
0xf6: {  	_ =	sfence.sel $0x180000  }
0xf7: {  	[bflag:$0x0] =	sbarrier.arrive $0xFFFF  }
0xf8: {  	_ =	strace $0x90000047  }
0xf9: {  	s0 =	stileid.u32;
	[bflag:$0x2] =	sbarrier.arrive $0xFFFF  }
0xfa: {  	p0 =	sne.s32 s0, $0x0;
	s0 =	rddreg [dreg:$0x4]  }
0xfb: {  	s0 =	sadd.s32 @!p0 $0x100000, s0  }
0xfc: {  	[sflag:s0] =	ssyncadd.tile.s32 @!p0 $0x1;
	_ =	shalt  }
.Lfunc_end2:
_tile_overlayer_lowered:
.L_overlay_start_2:
0xfd: {  	(tag) =	ssettag $0x2  }
0xfe: {  	s0 =	rddreg [dreg:$0x0];
	s2 =	stileid.u32  }
0xff: {  	s1 =	rddreg [dreg:$0x1];
	p0 =	sne.s32 s2, $0x0  }
0x100: {  	s3 =	rddreg [dreg:$0x2];
	[bflag:$0x3] =	sbarrier.arrive $0xFFFF;
	s2 =	simm.s32 @!p0 $0x1C06  }
0x101: {  	[timem:s3], [sflag:s2] =	dma.local @!p0 [hbm:s0], s1  }
0x102: {  	s0 =	simm.s32 @!p0 $0x6  }
0x103: {  	_ =	swait.ge @!p0 [sflag:s0], s1  }
0x104: {  	s1 =	ssub.s32 @!p0 $0x0, s1;
	[sflag:s0] =	ssyncset.done @!p0 $0x0  }
0x105: {  	[sflag:s0] =	ssyncadd.s32 @!p0 s1  }
0x106: {  	[bflag:$0x3] =	sbarrier.arrive $0xFFFF  }
0x107: {  	_ =	shalt  }

</sc_bundles>
